<compile_context>
chip_gen: v7x
topology: tpu7x:2x2x1
jax: 0.10.2.dev20260603
libtpu: 0.0.44.dev20260713+nightly
codegen_flags: <defaults>
</compile_context>

<pallas_src>
import functools
import jax
import jax.numpy as jnp
from jax.experimental import pallas as pl
from jax.experimental.pallas import tpu as pltpu
from jax.experimental.pallas import tpu_sc as plsc

_L = 16


def kernel(x, table):
    B, T = x.shape
    V, D = table.shape
    NB = B // 128
    xT = x.T
    tableT = table.T
    mesh = plsc.VectorSubcoreMesh(core_axis_name="core",
                                  subcore_axis_name="subcore")

    @functools.partial(
        pl.kernel,
        out_type=jax.ShapeDtypeStruct((T, D // 8, NB, 8, 128), jnp.float32),
        mesh=mesh,
        scratch_types=[pltpu.VMEM((D * V,), jnp.float32)],
        compiler_params=pltpu.CompilerParams(use_tc_tiling_on_sc=False,
                                             needs_layout_passes=False),
    )
    def emb(tableT_hbm, xT_hbm, o_hbm, tab_vmem):
        pltpu.sync_copy(tableT_hbm, tab_vmem)

        def body(i_vmem, o_vmem):
            @pl.loop(0, 128 // _L)
            def _(g):
                idx16 = i_vmem[0, pl.ds(g * _L, _L)]
                C = 16
                vals = [plsc.load_gather(tab_vmem, [idx16 + (d * V)])
                        for d in range(C)]
                for dc in range(C, D + C, C):
                    nxt = ([plsc.load_gather(tab_vmem, [idx16 + (d * V)])
                            for d in range(dc, dc + C)] if dc < D else None)
                    for j, v in enumerate(vals):
                        d = dc - C + j
                        o_vmem[0, d // 8, 0, d % 8, pl.ds(g * _L, _L)] = v
                    vals = nxt

        pltpu.emit_pipeline(
            body,
            grid=(T, NB),
            in_specs=[pl.BlockSpec((1, 128), index_map=lambda t, b: (t, b))],
            out_specs=[pl.BlockSpec((1, D // 8, 1, 8, 128),
                                    index_map=lambda t, b: (t, 0, b, 0, 0))],
            core_axis_name=("core", "subcore"),
            dimension_semantics=(pltpu.PARALLEL, pltpu.PARALLEL),
        )(xT_hbm, o_hbm)

    out5 = emb(tableT.reshape(-1), xT)
    return jnp.transpose(out5, (2, 4, 0, 1, 3)).reshape(B, T, D)

# --- scband reference (transcript-rebuilt; emitter-appended) ---
"""Pipeline reference for scband-biome-idemb-4509715661463 (READ-ONLY COPY).

The authoritative reference and input builder live on the scoring server;
editing this copy changes nothing except your own understanding.
"""

import jax, jax.numpy as jnp
import numpy as np


def setup_inputs(seed: int = 0) -> dict:
    key = jax.random.key(seed)
    k1, k2 = jax.random.split(key)
    x = jax.random.randint(k1, (4096, 200), 0, 168, dtype=jnp.int32)
    table = jax.random.normal(k2, (168, 64), dtype=jnp.float32)
    return {"x": x, "table": table}


def reference(x, table):
    # BiomeIDEmb.forward: embedding lookup; original returns (emb, None).
    emb = jnp.take(table, x, axis=0)
    return emb

if __name__ == "__main__":
    import jax
    _d = setup_inputs()
    print(jax.jit(kernel)(*tuple(_d.values())))

</pallas_src>

<mosaic_0001>
#map = affine_map<(d0, d1) -> (0)>
#map1 = affine_map<(d0, d1) -> (0, 0)>
#map2 = affine_map<(d0, d1) -> (0, 0, 0, 0, 0)>
module attributes {stable_mosaic.version = 14 : i64} {
  func.func @emb(%arg0: i32, %arg1: i32, %arg2: memref<10752xf32, #tpu.memory_space<hbm>>, %arg3: memref<200x4096xi32, #tpu.memory_space<hbm>>, %arg4: memref<200x8x32x8x128xf32, #tpu.memory_space<hbm>>, %arg5: memref<10752xf32, #tpu.memory_space<vmem>>) attributes {dimension_semantics = [#tpu.dimension_semantics<core_parallel>, #tpu.dimension_semantics<subcore_parallel>], iteration_bounds = array<i64: 2, 16>, scalar_prefetch = 0 : i64, scratch_operands = 1 : i64, tpu.core_type = #tpu.core_type<sc_vector_subcore>, window_params = [{transform_indices = #map}, {transform_indices = #map1}, {transform_indices = #map2}]} {
    "tpu.region"() ({
      %run_scoped3A = tpu.sem_alloc : memref<!tpu.dma_semaphore, #tpu.memory_space<semaphore_mem>>
      tpu.enqueue_dma source(%arg2 : memref<10752xf32, #tpu.memory_space<hbm>>) target(%arg5 : memref<10752xf32, #tpu.memory_space<vmem>>) target_semaphore(%run_scoped3A : memref<!tpu.dma_semaphore, #tpu.memory_space<semaphore_mem>>)
      tpu.wait_dma2 semaphore(%run_scoped3A : memref<!tpu.dma_semaphore, #tpu.memory_space<semaphore_mem>>) src(%arg2 : memref<10752xf32, #tpu.memory_space<hbm>>) dst(%arg5 : memref<10752xf32, #tpu.memory_space<vmem>>)
      tpu.yield
    }) : () -> ()
    %mul3A = arith.constant 1 : i32
    %mul3A_0 = arith.muli %arg1, %mul3A : i32
    %add3A = arith.constant 0 : i32
    %add3A_1 = arith.addi %add3A, %mul3A_0 : i32
    %mul3A_2 = arith.constant 16 : i32
    %mul3A_3 = arith.muli %arg0, %mul3A_2 : i32
    %add3A_4 = arith.addi %add3A_1, %mul3A_3 : i32
    %mul3A_5 = arith.constant 1 : i32
    %mul3A_6 = arith.muli %add3A_4, %mul3A_5 : i32
    "tpu.region"() ({
      %run_scoped3A = memref.alloca() : memref<2x1x128xi32, #tpu.memory_space<vmem>>
      %run_scoped3A_7 = tpu.sem_alloc : memref<2x!tpu.dma_semaphore, #tpu.memory_space<semaphore_mem>>
      %run_scoped3A_8 = memref.alloca() : memref<2x1x8x1x8x128xf32, #tpu.memory_space<vmem>>
      %run_scoped3A_9 = tpu.sem_alloc : memref<2x!tpu.dma_semaphore, #tpu.memory_space<semaphore_mem>>
      %add3A_10 = arith.constant 0 : i32
      %add3A_11 = arith.addi %add3A_10, %mul3A_6 : i32
      %select_n3A = arith.constant true
      %select_n3A_12 = arith.constant 0 : i32
      %select_n3A_13 = arith.constant -1 : i32
      %select_n3A_14 = arith.select %select_n3A, %select_n3A_13, %select_n3A_12 : i32
      %eq3A = arith.constant -1 : i32
      %eq3A_15 = arith.cmpi eq, %select_n3A_14, %eq3A : i32
      %select_n3A_16 = arith.constant 0 : i32
      %select_n3A_17 = arith.select %eq3A_15, %select_n3A_16, %select_n3A_14 : i32
      %select_n3A_18 = arith.constant 0 : i32
      %select_n3A_19 = arith.constant -1 : i32
      %select_n3A_20 = arith.select %eq3A_15, %select_n3A_19, %select_n3A_18 : i32
      %eq3A_21 = arith.constant -1 : i32
      %eq3A_22 = arith.cmpi eq, %select_n3A_20, %eq3A_21 : i32
      %select_n3A_23 = arith.constant 199 : i32
      %select_n3A_24 = arith.select %eq3A_22, %select_n3A_23, %select_n3A_20 : i32
      %add3A_25 = arith.constant 0 : i32
      %add3A_26 = arith.addi %select_n3A_24, %add3A_25 : i32
      %add3A_27 = arith.constant 0 : i32
      %add3A_28 = arith.addi %add3A_27, %mul3A_6 : i32
      %select_n3A_29 = arith.constant true
      %select_n3A_30 = arith.constant 0 : i32
      %select_n3A_31 = arith.constant 1 : i32
      %select_n3A_32 = arith.select %select_n3A_29, %select_n3A_31, %select_n3A_30 : i32
      %eq3A_33 = arith.constant 1 : i32
      %eq3A_34 = arith.cmpi eq, %select_n3A_32, %eq3A_33 : i32
      %select_n3A_35 = arith.constant 0 : i32
      %select_n3A_36 = arith.select %eq3A_34, %select_n3A_35, %select_n3A_32 : i32
      %select_n3A_37 = arith.constant 0 : i32
      %select_n3A_38 = arith.constant 1 : i32
      %select_n3A_39 = arith.select %eq3A_34, %select_n3A_38, %select_n3A_37 : i32
      %eq3A_40 = arith.constant 200 : i32
      %eq3A_41 = arith.cmpi eq, %select_n3A_39, %eq3A_40 : i32
      %select_n3A_42 = arith.constant 0 : i32
      %select_n3A_43 = arith.select %eq3A_41, %select_n3A_42, %select_n3A_39 : i32
      %add3A_44 = arith.constant 0 : i32
      %add3A_45 = arith.addi %select_n3A_43, %add3A_44 : i32
      %add3A_46 = arith.constant 0 : i32
      %add3A_47 = arith.addi %add3A_46, %mul3A_6 : i32
      %select_n3A_48 = arith.constant true
      %select_n3A_49 = arith.constant 0 : i32
      %select_n3A_50 = arith.constant 1 : i32
      %select_n3A_51 = arith.select %select_n3A_48, %select_n3A_50, %select_n3A_49 : i32
      %eq3A_52 = arith.constant 1 : i32
      %eq3A_53 = arith.cmpi eq, %select_n3A_51, %eq3A_52 : i32
      %select_n3A_54 = arith.constant 0 : i32
      %select_n3A_55 = arith.select %eq3A_53, %select_n3A_54, %select_n3A_51 : i32
      %add3A_56 = arith.constant 1 : i32
      %add3A_57 = arith.addi %select_n3A_43, %add3A_56 : i32
      %select_n3A_58 = arith.select %eq3A_53, %add3A_57, %select_n3A_43 : i32
      %eq3A_59 = arith.constant 200 : i32
      %eq3A_60 = arith.cmpi eq, %select_n3A_58, %eq3A_59 : i32
      %select_n3A_61 = arith.constant 0 : i32
      %select_n3A_62 = arith.select %eq3A_60, %select_n3A_61, %select_n3A_58 : i32
      %add3A_63 = arith.constant 0 : i32
      %add3A_64 = arith.addi %select_n3A_62, %add3A_63 : i32
      %add3A_65 = arith.constant 0 : i32
      %add3A_66 = arith.addi %add3A_65, %mul3A_6 : i32
      "tpu.trace_start"() <{level = 10 : i32, message = "ep_initialize_0"}> : () -> ()
      %rem3A = arith.constant 0 : i32
      %rem3A_67 = arith.constant 2 : i32
      %rem3A_68 = arith.remui %rem3A, %rem3A_67 : i32
      %mul3A_69 = arith.constant 128 : i32
      %mul3A_70 = arith.muli %mul3A_69, %add3A_11 : i32
      %dma_start3A = arith.constant 0 : i32
      %dma_start3A_71 = arith.constant 0 : i32
      %dma_start3A_72 = tpu.memref_slice %run_scoped3A[%rem3A_68, %dma_start3A, %dma_start3A_71] : memref<2x1x128xi32, #tpu.memory_space<vmem>> -> memref<1x1x128xi32, #tpu.memory_space<vmem>>
      %dma_start3A_73 = tpu.memref_squeeze %dma_start3A_72 : memref<1x1x128xi32, #tpu.memory_space<vmem>> -> memref<1x128xi32, #tpu.memory_space<vmem>>
      %dma_start3A_74 = arith.constant 0 : i32
      %dma_start3A_75 = tpu.memref_slice %arg3[%dma_start3A_74, %mul3A_70] : memref<200x4096xi32, #tpu.memory_space<hbm>> -> memref<1x128xi32, #tpu.memory_space<hbm>>
      %dma_start3A_76 = tpu.memref_slice %run_scoped3A_7[%rem3A_68] : memref<2x!tpu.dma_semaphore, #tpu.memory_space<semaphore_mem>> -> memref<1x!tpu.dma_semaphore, #tpu.memory_space<semaphore_mem>>
      %dma_start3A_77 = tpu.memref_squeeze %dma_start3A_76 : memref<1x!tpu.dma_semaphore, #tpu.memory_space<semaphore_mem>> -> memref<!tpu.dma_semaphore, #tpu.memory_space<semaphore_mem>>
      %dma_start3A_78 = arith.constant 0 : i32
      %dma_start3A_79 = arith.constant 0 : i32
      %dma_start3A_80 = tpu.memref_slice %run_scoped3A[%rem3A_68, %dma_start3A_78, %dma_start3A_79] : memref<2x1x128xi32, #tpu.memory_space<vmem>> -> memref<1x1x128xi32, #tpu.memory_space<vmem>>
      %dma_start3A_81 = tpu.memref_squeeze %dma_start3A_80 : memref<1x1x128xi32, #tpu.memory_space<vmem>> -> memref<1x128xi32, #tpu.memory_space<vmem>>
      %dma_start3A_82 = arith.constant 0 : i32
      %dma_start3A_83 = tpu.memref_slice %arg3[%dma_start3A_82, %mul3A_70] : memref<200x4096xi32, #tpu.memory_space<hbm>> -> memref<1x128xi32, #tpu.memory_space<hbm>>
      tpu.enqueue_dma source(%dma_start3A_83 : memref<1x128xi32, #tpu.memory_space<hbm>>) target(%dma_start3A_81 : memref<1x128xi32, #tpu.memory_space<vmem>>) target_semaphore(%dma_start3A_77 : memref<!tpu.dma_semaphore, #tpu.memory_space<semaphore_mem>>)
      %add3A_84 = arith.constant 0 : i32
      %add3A_85 = arith.constant 1 : i32
      %add3A_86 = arith.addi %add3A_84, %add3A_85 : i32
      %select_n3A_87 = arith.constant true
      %select_n3A_88 = arith.constant 0 : i32
      %select_n3A_89 = arith.select %select_n3A_87, %add3A_86, %select_n3A_88 : i32
      "tpu.trace_stop"() : () -> ()
      %scan3A = arith.constant 0 : i32
      %scan3A_90 = arith.constant 0 : i32
      %scan3A_91 = arith.constant 0 : i32
      %scan3A_92 = arith.constant 0 : i32
      %scan3A_93 = arith.constant 0 : i32
      %scan3A_94 = arith.constant 0 : i32
      %scan3A_95 = arith.constant 200 : i32
      %scan3A_96 = arith.addi %scan3A_94, %scan3A_95 : i32
      %scan3A_97 = arith.constant 1 : i32
      %scan3A_98:6 = scf.for %scan3A_204 = %scan3A_94 to %scan3A_96 step %scan3A_97 iter_args(%scan3A_205 = %select_n3A_89, %scan3A_206 = %scan3A, %scan3A_207 = %scan3A_90, %scan3A_208 = %scan3A_91, %scan3A_209 = %scan3A_92, %scan3A_210 = %scan3A_93) -> (i32, i32, i32, i32, i32, i32)  : i32 {
        %eq3A_211 = arith.constant 0 : i32
        %eq3A_212 = arith.cmpi eq, %scan3A_204, %eq3A_211 : i32
        %eq3A_213 = arith.constant 199 : i32
        %eq3A_214 = arith.cmpi eq, %scan3A_204, %eq3A_213 : i32
        %add3A_215 = arith.constant 0 : i32
        %add3A_216 = arith.addi %scan3A_209, %add3A_215 : i32
        %add3A_217 = arith.constant 0 : i32
        %add3A_218 = arith.addi %add3A_217, %mul3A_6 : i32
        %select_n3A_219 = arith.constant true
        %select_n3A_220 = arith.constant 0 : i32
        %select_n3A_221 = arith.constant -1 : i32
        %select_n3A_222 = arith.select %select_n3A_219, %select_n3A_221, %select_n3A_220 : i32
        %eq3A_223 = arith.constant -1 : i32
        %eq3A_224 = arith.cmpi eq, %select_n3A_222, %eq3A_223 : i32
        %select_n3A_225 = arith.constant 0 : i32
        %select_n3A_226 = arith.select %eq3A_224, %select_n3A_225, %select_n3A_222 : i32
        %sub3A_227 = arith.constant 1 : i32
        %sub3A_228 = arith.subi %scan3A_209, %sub3A_227 : i32
        %select_n3A_229 = arith.select %eq3A_224, %sub3A_228, %scan3A_209 : i32
        %eq3A_230 = arith.constant -1 : i32
        %eq3A_231 = arith.cmpi eq, %select_n3A_229, %eq3A_230 : i32
        %select_n3A_232 = arith.constant 199 : i32
        %select_n3A_233 = arith.select %eq3A_231, %select_n3A_232, %select_n3A_229 : i32
        %add3A_234 = arith.constant 0 : i32
        %add3A_235 = arith.addi %select_n3A_233, %add3A_234 : i32
        %add3A_236 = arith.constant 0 : i32
        %add3A_237 = arith.addi %add3A_236, %mul3A_6 : i32
        %select_n3A_238 = arith.constant true
        %select_n3A_239 = arith.constant 0 : i32
        %select_n3A_240 = arith.constant 1 : i32
        %select_n3A_241 = arith.select %select_n3A_238, %select_n3A_240, %select_n3A_239 : i32
        %eq3A_242 = arith.constant 1 : i32
        %eq3A_243 = arith.cmpi eq, %select_n3A_241, %eq3A_242 : i32
        %select_n3A_244 = arith.constant 0 : i32
        %select_n3A_245 = arith.select %eq3A_243, %select_n3A_244, %select_n3A_241 : i32
        %add3A_246 = arith.constant 1 : i32
        %add3A_247 = arith.addi %scan3A_209, %add3A_246 : i32
        %select_n3A_248 = arith.select %eq3A_243, %add3A_247, %scan3A_209 : i32
        %eq3A_249 = arith.constant 200 : i32
        %eq3A_250 = arith.cmpi eq, %select_n3A_248, %eq3A_249 : i32
        %select_n3A_251 = arith.constant 0 : i32
        %select_n3A_252 = arith.select %eq3A_250, %select_n3A_251, %select_n3A_248 : i32
        %add3A_253 = arith.constant 0 : i32
        %add3A_254 = arith.addi %select_n3A_252, %add3A_253 : i32
        %add3A_255 = arith.constant 0 : i32
        %add3A_256 = arith.addi %add3A_255, %mul3A_6 : i32
        %select_n3A_257 = arith.constant true
        %select_n3A_258 = arith.constant 0 : i32
        %select_n3A_259 = arith.constant 1 : i32
        %select_n3A_260 = arith.select %select_n3A_257, %select_n3A_259, %select_n3A_258 : i32
        %eq3A_261 = arith.constant 1 : i32
        %eq3A_262 = arith.cmpi eq, %select_n3A_260, %eq3A_261 : i32
        %select_n3A_263 = arith.constant 0 : i32
        %select_n3A_264 = arith.select %eq3A_262, %select_n3A_263, %select_n3A_260 : i32
        %add3A_265 = arith.constant 1 : i32
        %add3A_266 = arith.addi %select_n3A_252, %add3A_265 : i32
        %select_n3A_267 = arith.select %eq3A_262, %add3A_266, %select_n3A_252 : i32
        %eq3A_268 = arith.constant 200 : i32
        %eq3A_269 = arith.cmpi eq, %select_n3A_267, %eq3A_268 : i32
        %select_n3A_270 = arith.constant 0 : i32
        %select_n3A_271 = arith.select %eq3A_269, %select_n3A_270, %select_n3A_267 : i32
        %add3A_272 = arith.constant 0 : i32
        %add3A_273 = arith.addi %select_n3A_271, %add3A_272 : i32
        %add3A_274 = arith.constant 0 : i32
        %add3A_275 = arith.addi %add3A_274, %mul3A_6 : i32
        %ne3A = arith.cmpi ne, %add3A_216, %add3A_254 : i32
        %ne3A_276 = arith.cmpi ne, %add3A_218, %add3A_256 : i32
        %or3A = arith.constant false
        %or3A_277 = arith.ori %or3A, %ne3A : i1
        %or3A_278 = arith.ori %or3A_277, %ne3A_276 : i1
        %ge3A = arith.constant 199 : i32
        %ge3A_279 = arith.cmpi sge, %scan3A_204, %ge3A : i32
        %not3A = arith.constant true
        %not3A_280 = arith.xori %ge3A_279, %not3A : i1
        %and3A = arith.andi %or3A_278, %not3A_280 : i1
        %convert_element_type3A = arith.extui %and3A : i1 to i32
        %cond3A = arith.constant 0 : i32
        %cond3A_281 = arith.cmpi ne, %convert_element_type3A, %cond3A : i32
        scf.if %cond3A_281 {
          "tpu.trace_start"() <{level = 10 : i32, message = "ep_copy_in"}> : () -> ()
          %rem3A_427 = arith.constant 2 : i32
          %rem3A_428 = arith.remui %scan3A_205, %rem3A_427 : i32
          %mul3A_429 = arith.constant 1 : i32
          %mul3A_430 = arith.muli %mul3A_429, %add3A_254 : i32
          %mul3A_431 = arith.constant 128 : i32
          %mul3A_432 = arith.muli %mul3A_431, %add3A_256 : i32
          %dma_start3A_433 = arith.constant 0 : i32
          %dma_start3A_434 = arith.constant 0 : i32
          %dma_start3A_435 = tpu.memref_slice %run_scoped3A[%rem3A_428, %dma_start3A_433, %dma_start3A_434] : memref<2x1x128xi32, #tpu.memory_space<vmem>> -> memref<1x1x128xi32, #tpu.memory_space<vmem>>
          %dma_start3A_436 = tpu.memref_squeeze %dma_start3A_435 : memref<1x1x128xi32, #tpu.memory_space<vmem>> -> memref<1x128xi32, #tpu.memory_space<vmem>>
          %dma_start3A_437 = tpu.memref_slice %arg3[%mul3A_430, %mul3A_432] : memref<200x4096xi32, #tpu.memory_space<hbm>> -> memref<1x128xi32, #tpu.memory_space<hbm>>
          %dma_start3A_438 = tpu.memref_slice %run_scoped3A_7[%rem3A_428] : memref<2x!tpu.dma_semaphore, #tpu.memory_space<semaphore_mem>> -> memref<1x!tpu.dma_semaphore, #tpu.memory_space<semaphore_mem>>
          %dma_start3A_439 = tpu.memref_squeeze %dma_start3A_438 : memref<1x!tpu.dma_semaphore, #tpu.memory_space<semaphore_mem>> -> memref<!tpu.dma_semaphore, #tpu.memory_space<semaphore_mem>>
          %dma_start3A_440 = arith.constant 0 : i32
          %dma_start3A_441 = arith.constant 0 : i32
          %dma_start3A_442 = tpu.memref_slice %run_scoped3A[%rem3A_428, %dma_start3A_440, %dma_start3A_441] : memref<2x1x128xi32, #tpu.memory_space<vmem>> -> memref<1x1x128xi32, #tpu.memory_space<vmem>>
          %dma_start3A_443 = tpu.memref_squeeze %dma_start3A_442 : memref<1x1x128xi32, #tpu.memory_space<vmem>> -> memref<1x128xi32, #tpu.memory_space<vmem>>
          %dma_start3A_444 = tpu.memref_slice %arg3[%mul3A_430, %mul3A_432] : memref<200x4096xi32, #tpu.memory_space<hbm>> -> memref<1x128xi32, #tpu.memory_space<hbm>>
          tpu.enqueue_dma source(%dma_start3A_444 : memref<1x128xi32, #tpu.memory_space<hbm>>) target(%dma_start3A_443 : memref<1x128xi32, #tpu.memory_space<vmem>>) target_semaphore(%dma_start3A_439 : memref<!tpu.dma_semaphore, #tpu.memory_space<semaphore_mem>>)
          "tpu.trace_stop"() : () -> ()
        } else {
        }
        %and3A_282 = arith.constant true
        %and3A_283 = arith.andi %and3A, %and3A_282 : i1
        %add3A_284 = arith.constant 1 : i32
        %add3A_285 = arith.addi %scan3A_205, %add3A_284 : i32
        %select_n3A_286 = arith.select %and3A_283, %add3A_285, %scan3A_205 : i32
        %ne3A_287 = arith.cmpi ne, %add3A_216, %add3A_254 : i32
        %ne3A_288 = arith.cmpi ne, %add3A_218, %add3A_256 : i32
        %or3A_289 = arith.constant false
        %or3A_290 = arith.ori %or3A_289, %ne3A_287 : i1
        %or3A_291 = arith.constant false
        %or3A_292 = arith.ori %or3A_290, %or3A_291 : i1
        %or3A_293 = arith.ori %or3A_292, %ne3A_288 : i1
        %or3A_294 = arith.constant false
        %or3A_295 = arith.ori %or3A_293, %or3A_294 : i1
        %or3A_296 = arith.constant false
        %or3A_297 = arith.ori %or3A_295, %or3A_296 : i1
        %ge3A_298 = arith.constant 199 : i32
        %ge3A_299 = arith.cmpi sge, %scan3A_204, %ge3A_298 : i32
        %not3A_300 = arith.constant true
        %not3A_301 = arith.xori %ge3A_299, %not3A_300 : i1
        %and3A_302 = arith.andi %or3A_297, %not3A_301 : i1
        %ne3A_303 = arith.cmpi ne, %add3A_216, %add3A_235 : i32
        %ne3A_304 = arith.cmpi ne, %add3A_218, %add3A_237 : i32
        %or3A_305 = arith.constant false
        %or3A_306 = arith.ori %or3A_305, %ne3A_303 : i1
        %or3A_307 = arith.ori %or3A_306, %ne3A_304 : i1
        %or3A_308 = arith.ori %or3A_307, %eq3A_212 : i1
        %convert_element_type3A_309 = arith.extui %or3A_308 : i1 to i32
        %cond3A_310 = arith.constant 0 : i32
        %cond3A_311 = arith.cmpi ne, %convert_element_type3A_309, %cond3A_310 : i32
        scf.if %cond3A_311 {
          "tpu.trace_start"() <{level = 10 : i32, message = "ep_wait_in"}> : () -> ()
          %mul3A_427 = arith.constant 1 : i32
          %mul3A_428 = arith.muli %mul3A_427, %add3A_216 : i32
          %mul3A_429 = arith.constant 128 : i32
          %mul3A_430 = arith.muli %mul3A_429, %add3A_218 : i32
          %rem3A_431 = arith.constant 2 : i32
          %rem3A_432 = arith.remui %scan3A_206, %rem3A_431 : i32
          %dma_wait3A_433 = arith.constant 0 : i32
          %dma_wait3A_434 = arith.constant 0 : i32
          %dma_wait3A_435 = tpu.memref_slice %run_scoped3A[%rem3A_432, %dma_wait3A_433, %dma_wait3A_434] : memref<2x1x128xi32, #tpu.memory_space<vmem>> -> memref<1x1x128xi32, #tpu.memory_space<vmem>>
          %dma_wait3A_436 = tpu.memref_squeeze %dma_wait3A_435 : memref<1x1x128xi32, #tpu.memory_space<vmem>> -> memref<1x128xi32, #tpu.memory_space<vmem>>
          %dma_wait3A_437 = tpu.memref_slice %arg3[%mul3A_428, %mul3A_430] : memref<200x4096xi32, #tpu.memory_space<hbm>> -> memref<1x128xi32, #tpu.memory_space<hbm>>
          %dma_wait3A_438 = tpu.memref_slice %run_scoped3A_7[%rem3A_432] : memref<2x!tpu.dma_semaphore, #tpu.memory_space<semaphore_mem>> -> memref<1x!tpu.dma_semaphore, #tpu.memory_space<semaphore_mem>>
          %dma_wait3A_439 = tpu.memref_squeeze %dma_wait3A_438 : memref<1x!tpu.dma_semaphore, #tpu.memory_space<semaphore_mem>> -> memref<!tpu.dma_semaphore, #tpu.memory_space<semaphore_mem>>
          %dma_wait3A_440 = arith.constant 0 : i32
          %dma_wait3A_441 = arith.constant 0 : i32
          %dma_wait3A_442 = tpu.memref_slice %run_scoped3A[%rem3A_432, %dma_wait3A_440, %dma_wait3A_441] : memref<2x1x128xi32, #tpu.memory_space<vmem>> -> memref<1x1x128xi32, #tpu.memory_space<vmem>>
          %dma_wait3A_443 = tpu.memref_squeeze %dma_wait3A_442 : memref<1x1x128xi32, #tpu.memory_space<vmem>> -> memref<1x128xi32, #tpu.memory_space<vmem>>
          %dma_wait3A_444 = tpu.memref_slice %arg3[%mul3A_428, %mul3A_430] : memref<200x4096xi32, #tpu.memory_space<hbm>> -> memref<1x128xi32, #tpu.memory_space<hbm>>
          tpu.wait_dma2 semaphore(%dma_wait3A_439 : memref<!tpu.dma_semaphore, #tpu.memory_space<semaphore_mem>>) src(%dma_wait3A_444 : memref<1x128xi32, #tpu.memory_space<hbm>>) dst(%dma_wait3A_443 : memref<1x128xi32, #tpu.memory_space<vmem>>)
          "tpu.trace_stop"() : () -> ()
        } else {
        }
        %ne3A_312 = arith.cmpi ne, %add3A_216, %add3A_235 : i32
        %ne3A_313 = arith.cmpi ne, %add3A_218, %add3A_237 : i32
        %or3A_314 = arith.constant false
        %or3A_315 = arith.ori %or3A_314, %ne3A_312 : i1
        %or3A_316 = arith.constant false
        %or3A_317 = arith.ori %or3A_315, %or3A_316 : i1
        %or3A_318 = arith.ori %or3A_317, %ne3A_313 : i1
        %or3A_319 = arith.constant false
        %or3A_320 = arith.ori %or3A_318, %or3A_319 : i1
        %or3A_321 = arith.constant false
        %or3A_322 = arith.ori %or3A_320, %or3A_321 : i1
        %or3A_323 = arith.ori %or3A_322, %eq3A_212 : i1
        %convert_element_type3A_324 = arith.extui %or3A_323 : i1 to i32
        %cond3A_325 = arith.constant 0 : i32
        %cond3A_326 = arith.cmpi ne, %convert_element_type3A_324, %cond3A_325 : i32
        scf.if %cond3A_326 {
        } else {
        }
        %rem3A_327 = arith.constant 2 : i32
        %rem3A_328 = arith.remui %scan3A_206, %rem3A_327 : i32
        %rem3A_329 = arith.constant 2 : i32
        %rem3A_330 = arith.remui %scan3A_207, %rem3A_329 : i32
        "tpu.trace_start"() <{level = 10 : i32, message = "ep_run_kernel"}> : () -> ()
        %scan3A_331 = arith.constant 0 : i32
        %scan3A_332 = arith.constant 8 : i32
        %scan3A_333 = arith.addi %scan3A_331, %scan3A_332 : i32
        %scan3A_334 = arith.constant 1 : i32
        scf.for %scan3A_427 = %scan3A_331 to %scan3A_333 step %scan3A_334  : i32 {
          %mul3A_428 = arith.constant 1 : i32
          %mul3A_429 = arith.muli %scan3A_427, %mul3A_428 : i32
          %add3A_430 = arith.constant 0 : i32
          %add3A_431 = arith.addi %add3A_430, %mul3A_429 : i32
          %mul3A_432 = arith.constant 16 : i32
          %mul3A_433 = arith.muli %add3A_431, %mul3A_432 : i32
          %get3A = arith.constant 0 : i32
          %get3A_434 = arith.constant 0 : i32
          %get3A_435 = arith.constant 0 : i32
          %get3A_436 = tpu.memref_slice %run_scoped3A[%rem3A_328, %get3A_434, %get3A_435] : memref<2x1x128xi32, #tpu.memory_space<vmem>> -> memref<1x1x128xi32, #tpu.memory_space<vmem>>
          %get3A_437 = tpu.memref_squeeze %get3A_436 : memref<1x1x128xi32, #tpu.memory_space<vmem>> -> memref<1x128xi32, #tpu.memory_space<vmem>>
          %get3A_438 = arith.index_cast %get3A : i32 to index
          %get3A_439 = arith.index_cast %mul3A_433 : i32 to index
          %get3A_440 = tpu.vector_load %get3A_437[%get3A_438, %get3A_439] {strides = array<i32>} : memref<1x128xi32, #tpu.memory_space<vmem>>, vector<16xi32>,
          %add3A_441 = arith.constant 0 : i32
          %add3A_442 = vector.broadcast %add3A_441 : i32 to vector<16xi32>
          %add3A_443 = arith.addi %get3A_440, %add3A_442 : vector<16xi32>
          %gather3A = tpu.vector_load_idx %arg5[%add3A_443] : memref<10752xf32, #tpu.memory_space<vmem>>[vector<16xi32>], vector<16xf32>,
          %add3A_444 = arith.constant 168 : i32
          %add3A_445 = vector.broadcast %add3A_444 : i32 to vector<16xi32>
          %add3A_446 = arith.addi %get3A_440, %add3A_445 : vector<16xi32>
          %gather3A_447 = tpu.vector_load_idx %arg5[%add3A_446] : memref<10752xf32, #tpu.memory_space<vmem>>[vector<16xi32>], vector<16xf32>,
          %add3A_448 = arith.constant 336 : i32
          %add3A_449 = vector.broadcast %add3A_448 : i32 to vector<16xi32>
          %add3A_450 = arith.addi %get3A_440, %add3A_449 : vector<16xi32>
          %gather3A_451 = tpu.vector_load_idx %arg5[%add3A_450] : memref<10752xf32, #tpu.memory_space<vmem>>[vector<16xi32>], vector<16xf32>,
          %add3A_452 = arith.constant 504 : i32
          %add3A_453 = vector.broadcast %add3A_452 : i32 to vector<16xi32>
          %add3A_454 = arith.addi %get3A_440, %add3A_453 : vector<16xi32>
          %gather3A_455 = tpu.vector_load_idx %arg5[%add3A_454] : memref<10752xf32, #tpu.memory_space<vmem>>[vector<16xi32>], vector<16xf32>,
          %add3A_456 = arith.constant 672 : i32
          %add3A_457 = vector.broadcast %add3A_456 : i32 to vector<16xi32>
          %add3A_458 = arith.addi %get3A_440, %add3A_457 : vector<16xi32>
          %gather3A_459 = tpu.vector_load_idx %arg5[%add3A_458] : memref<10752xf32, #tpu.memory_space<vmem>>[vector<16xi32>], vector<16xf32>,
          %add3A_460 = arith.constant 840 : i32
          %add3A_461 = vector.broadcast %add3A_460 : i32 to vector<16xi32>
          %add3A_462 = arith.addi %get3A_440, %add3A_461 : vector<16xi32>
          %gather3A_463 = tpu.vector_load_idx %arg5[%add3A_462] : memref<10752xf32, #tpu.memory_space<vmem>>[vector<16xi32>], vector<16xf32>,
          %add3A_464 = arith.constant 1008 : i32
          %add3A_465 = vector.broadcast %add3A_464 : i32 to vector<16xi32>
          %add3A_466 = arith.addi %get3A_440, %add3A_465 : vector<16xi32>
          %gather3A_467 = tpu.vector_load_idx %arg5[%add3A_466] : memref<10752xf32, #tpu.memory_space<vmem>>[vector<16xi32>], vector<16xf32>,
          %add3A_468 = arith.constant 1176 : i32
          %add3A_469 = vector.broadcast %add3A_468 : i32 to vector<16xi32>
          %add3A_470 = arith.addi %get3A_440, %add3A_469 : vector<16xi32>
          %gather3A_471 = tpu.vector_load_idx %arg5[%add3A_470] : memref<10752xf32, #tpu.memory_space<vmem>>[vector<16xi32>], vector<16xf32>,
          %add3A_472 = arith.constant 1344 : i32
          %add3A_473 = vector.broadcast %add3A_472 : i32 to vector<16xi32>
          %add3A_474 = arith.addi %get3A_440, %add3A_473 : vector<16xi32>
          %gather3A_475 = tpu.vector_load_idx %arg5[%add3A_474] : memref<10752xf32, #tpu.memory_space<vmem>>[vector<16xi32>], vector<16xf32>,
          %add3A_476 = arith.constant 1512 : i32
          %add3A_477 = vector.broadcast %add3A_476 : i32 to vector<16xi32>
          %add3A_478 = arith.addi %get3A_440, %add3A_477 : vector<16xi32>
          %gather3A_479 = tpu.vector_load_idx %arg5[%add3A_478] : memref<10752xf32, #tpu.memory_space<vmem>>[vector<16xi32>], vector<16xf32>,
          %add3A_480 = arith.constant 1680 : i32
          %add3A_481 = vector.broadcast %add3A_480 : i32 to vector<16xi32>
          %add3A_482 = arith.addi %get3A_440, %add3A_481 : vector<16xi32>
          %gather3A_483 = tpu.vector_load_idx %arg5[%add3A_482] : memref<10752xf32, #tpu.memory_space<vmem>>[vector<16xi32>], vector<16xf32>,
          %add3A_484 = arith.constant 1848 : i32
          %add3A_485 = vector.broadcast %add3A_484 : i32 to vector<16xi32>
          %add3A_486 = arith.addi %get3A_440, %add3A_485 : vector<16xi32>
          %gather3A_487 = tpu.vector_load_idx %arg5[%add3A_486] : memref<10752xf32, #tpu.memory_space<vmem>>[vector<16xi32>], vector<16xf32>,
          %add3A_488 = arith.constant 2016 : i32
          %add3A_489 = vector.broadcast %add3A_488 : i32 to vector<16xi32>
          %add3A_490 = arith.addi %get3A_440, %add3A_489 : vector<16xi32>
          %gather3A_491 = tpu.vector_load_idx %arg5[%add3A_490] : memref<10752xf32, #tpu.memory_space<vmem>>[vector<16xi32>], vector<16xf32>,
          %add3A_492 = arith.constant 2184 : i32
          %add3A_493 = vector.broadcast %add3A_492 : i32 to vector<16xi32>
          %add3A_494 = arith.addi %get3A_440, %add3A_493 : vector<16xi32>
          %gather3A_495 = tpu.vector_load_idx %arg5[%add3A_494] : memref<10752xf32, #tpu.memory_space<vmem>>[vector<16xi32>], vector<16xf32>,
          %add3A_496 = arith.constant 2352 : i32
          %add3A_497 = vector.broadcast %add3A_496 : i32 to vector<16xi32>
          %add3A_498 = arith.addi %get3A_440, %add3A_497 : vector<16xi32>
          %gather3A_499 = tpu.vector_load_idx %arg5[%add3A_498] : memref<10752xf32, #tpu.memory_space<vmem>>[vector<16xi32>], vector<16xf32>,
          %add3A_500 = arith.constant 2520 : i32
          %add3A_501 = vector.broadcast %add3A_500 : i32 to vector<16xi32>
          %add3A_502 = arith.addi %get3A_440, %add3A_501 : vector<16xi32>
          %gather3A_503 = tpu.vector_load_idx %arg5[%add3A_502] : memref<10752xf32, #tpu.memory_space<vmem>>[vector<16xi32>], vector<16xf32>,
          %add3A_504 = arith.constant 2688 : i32
          %add3A_505 = vector.broadcast %add3A_504 : i32 to vector<16xi32>
          %add3A_506 = arith.addi %get3A_440, %add3A_505 : vector<16xi32>
          %gather3A_507 = tpu.vector_load_idx %arg5[%add3A_506] : memref<10752xf32, #tpu.memory_space<vmem>>[vector<16xi32>], vector<16xf32>,
          %add3A_508 = arith.constant 2856 : i32
          %add3A_509 = vector.broadcast %add3A_508 : i32 to vector<16xi32>
          %add3A_510 = arith.addi %get3A_440, %add3A_509 : vector<16xi32>
          %gather3A_511 = tpu.vector_load_idx %arg5[%add3A_510] : memref<10752xf32, #tpu.memory_space<vmem>>[vector<16xi32>], vector<16xf32>,
          %add3A_512 = arith.constant 3024 : i32
          %add3A_513 = vector.broadcast %add3A_512 : i32 to vector<16xi32>
          %add3A_514 = arith.addi %get3A_440, %add3A_513 : vector<16xi32>
          %gather3A_515 = tpu.vector_load_idx %arg5[%add3A_514] : memref<10752xf32, #tpu.memory_space<vmem>>[vector<16xi32>], vector<16xf32>,
          %add3A_516 = arith.constant 3192 : i32
          %add3A_517 = vector.broadcast %add3A_516 : i32 to vector<16xi32>
          %add3A_518 = arith.addi %get3A_440, %add3A_517 : vector<16xi32>
          %gather3A_519 = tpu.vector_load_idx %arg5[%add3A_518] : memref<10752xf32, #tpu.memory_space<vmem>>[vector<16xi32>], vector<16xf32>,
          %add3A_520 = arith.constant 3360 : i32
          %add3A_521 = vector.broadcast %add3A_520 : i32 to vector<16xi32>
          %add3A_522 = arith.addi %get3A_440, %add3A_521 : vector<16xi32>
          %gather3A_523 = tpu.vector_load_idx %arg5[%add3A_522] : memref<10752xf32, #tpu.memory_space<vmem>>[vector<16xi32>], vector<16xf32>,
          %add3A_524 = arith.constant 3528 : i32
          %add3A_525 = vector.broadcast %add3A_524 : i32 to vector<16xi32>
          %add3A_526 = arith.addi %get3A_440, %add3A_525 : vector<16xi32>
          %gather3A_527 = tpu.vector_load_idx %arg5[%add3A_526] : memref<10752xf32, #tpu.memory_space<vmem>>[vector<16xi32>], vector<16xf32>,
          %add3A_528 = arith.constant 3696 : i32
          %add3A_529 = vector.broadcast %add3A_528 : i32 to vector<16xi32>
          %add3A_530 = arith.addi %get3A_440, %add3A_529 : vector<16xi32>
          %gather3A_531 = tpu.vector_load_idx %arg5[%add3A_530] : memref<10752xf32, #tpu.memory_space<vmem>>[vector<16xi32>], vector<16xf32>,
          %add3A_532 = arith.constant 3864 : i32
          %add3A_533 = vector.broadcast %add3A_532 : i32 to vector<16xi32>
          %add3A_534 = arith.addi %get3A_440, %add3A_533 : vector<16xi32>
          %gather3A_535 = tpu.vector_load_idx %arg5[%add3A_534] : memref<10752xf32, #tpu.memory_space<vmem>>[vector<16xi32>], vector<16xf32>,
          %add3A_536 = arith.constant 4032 : i32
          %add3A_537 = vector.broadcast %add3A_536 : i32 to vector<16xi32>
          %add3A_538 = arith.addi %get3A_440, %add3A_537 : vector<16xi32>
          %gather3A_539 = tpu.vector_load_idx %arg5[%add3A_538] : memref<10752xf32, #tpu.memory_space<vmem>>[vector<16xi32>], vector<16xf32>,
          %add3A_540 = arith.constant 4200 : i32
          %add3A_541 = vector.broadcast %add3A_540 : i32 to vector<16xi32>
          %add3A_542 = arith.addi %get3A_440, %add3A_541 : vector<16xi32>
          %gather3A_543 = tpu.vector_load_idx %arg5[%add3A_542] : memref<10752xf32, #tpu.memory_space<vmem>>[vector<16xi32>], vector<16xf32>,
          %add3A_544 = arith.constant 4368 : i32
          %add3A_545 = vector.broadcast %add3A_544 : i32 to vector<16xi32>
          %add3A_546 = arith.addi %get3A_440, %add3A_545 : vector<16xi32>
          %gather3A_547 = tpu.vector_load_idx %arg5[%add3A_546] : memref<10752xf32, #tpu.memory_space<vmem>>[vector<16xi32>], vector<16xf32>,
          %add3A_548 = arith.constant 4536 : i32
          %add3A_549 = vector.broadcast %add3A_548 : i32 to vector<16xi32>
          %add3A_550 = arith.addi %get3A_440, %add3A_549 : vector<16xi32>
          %gather3A_551 = tpu.vector_load_idx %arg5[%add3A_550] : memref<10752xf32, #tpu.memory_space<vmem>>[vector<16xi32>], vector<16xf32>,
          %add3A_552 = arith.constant 4704 : i32
          %add3A_553 = vector.broadcast %add3A_552 : i32 to vector<16xi32>
          %add3A_554 = arith.addi %get3A_440, %add3A_553 : vector<16xi32>
          %gather3A_555 = tpu.vector_load_idx %arg5[%add3A_554] : memref<10752xf32, #tpu.memory_space<vmem>>[vector<16xi32>], vector<16xf32>,
          %add3A_556 = arith.constant 4872 : i32
          %add3A_557 = vector.broadcast %add3A_556 : i32 to vector<16xi32>
          %add3A_558 = arith.addi %get3A_440, %add3A_557 : vector<16xi32>
          %gather3A_559 = tpu.vector_load_idx %arg5[%add3A_558] : memref<10752xf32, #tpu.memory_space<vmem>>[vector<16xi32>], vector<16xf32>,
          %add3A_560 = arith.constant 5040 : i32
          %add3A_561 = vector.broadcast %add3A_560 : i32 to vector<16xi32>
          %add3A_562 = arith.addi %get3A_440, %add3A_561 : vector<16xi32>
          %gather3A_563 = tpu.vector_load_idx %arg5[%add3A_562] : memref<10752xf32, #tpu.memory_space<vmem>>[vector<16xi32>], vector<16xf32>,
          %add3A_564 = arith.constant 5208 : i32
          %add3A_565 = vector.broadcast %add3A_564 : i32 to vector<16xi32>
          %add3A_566 = arith.addi %get3A_440, %add3A_565 : vector<16xi32>
          %gather3A_567 = tpu.vector_load_idx %arg5[%add3A_566] : memref<10752xf32, #tpu.memory_space<vmem>>[vector<16xi32>], vector<16xf32>,
          %mul3A_568 = arith.constant 16 : i32
          %mul3A_569 = arith.muli %add3A_431, %mul3A_568 : i32
          %swap3A = arith.constant 0 : i32
          %swap3A_570 = arith.constant 0 : i32
          %swap3A_571 = arith.constant 0 : i32
          %swap3A_572 = arith.constant 0 : i32
          %swap3A_573 = arith.constant 0 : i32
          %swap3A_574 = arith.constant 0 : i32
          %swap3A_575 = arith.constant 0 : i32
          %swap3A_576 = arith.constant 0 : i32
          %swap3A_577 = arith.constant 0 : i32
          %swap3A_578 = tpu.memref_slice %run_scoped3A_8[%rem3A_330, %swap3A_573, %swap3A_574, %swap3A_575, %swap3A_576, %swap3A_577] : memref<2x1x8x1x8x128xf32, #tpu.memory_space<vmem>> -> memref<1x1x8x1x8x128xf32, #tpu.memory_space<vmem>>
          %swap3A_579 = tpu.memref_squeeze %swap3A_578 : memref<1x1x8x1x8x128xf32, #tpu.memory_space<vmem>> -> memref<1x8x1x8x128xf32, #tpu.memory_space<vmem>>
          %swap3A_580 = arith.index_cast %swap3A : i32 to index
          %swap3A_581 = arith.index_cast %swap3A_570 : i32 to index
          %swap3A_582 = arith.index_cast %swap3A_571 : i32 to index
          %swap3A_583 = arith.index_cast %swap3A_572 : i32 to index
          %swap3A_584 = arith.index_cast %mul3A_569 : i32 to index
          %swap3A_585 = tpu.vector_load %swap3A_579[%swap3A_580, %swap3A_581, %swap3A_582, %swap3A_583, %swap3A_584] {strides = array<i32>} : memref<1x8x1x8x128xf32, #tpu.memory_space<vmem>>, vector<16xf32>,
          tpu.vector_store %swap3A_579[%swap3A_580, %swap3A_581, %swap3A_582, %swap3A_583, %swap3A_584], %gather3A {strides = array<i32>} : memref<1x8x1x8x128xf32, #tpu.memory_space<vmem>>, vector<16xf32>,
          %mul3A_586 = arith.constant 16 : i32
          %mul3A_587 = arith.muli %add3A_431, %mul3A_586 : i32
          %swap3A_588 = arith.constant 0 : i32
          %swap3A_589 = arith.constant 0 : i32
          %swap3A_590 = arith.constant 0 : i32
          %swap3A_591 = arith.constant 1 : i32
          %swap3A_592 = arith.constant 0 : i32
          %swap3A_593 = arith.constant 0 : i32
          %swap3A_594 = arith.constant 0 : i32
          %swap3A_595 = arith.constant 0 : i32
          %swap3A_596 = arith.constant 0 : i32
          %swap3A_597 = tpu.memref_slice %run_scoped3A_8[%rem3A_330, %swap3A_592, %swap3A_593, %swap3A_594, %swap3A_595, %swap3A_596] : memref<2x1x8x1x8x128xf32, #tpu.memory_space<vmem>> -> memref<1x1x8x1x8x128xf32, #tpu.memory_space<vmem>>
          %swap3A_598 = tpu.memref_squeeze %swap3A_597 : memref<1x1x8x1x8x128xf32, #tpu.memory_space<vmem>> -> memref<1x8x1x8x128xf32, #tpu.memory_space<vmem>>
          %swap3A_599 = arith.index_cast %swap3A_588 : i32 to index
          %swap3A_600 = arith.index_cast %swap3A_589 : i32 to index
          %swap3A_601 = arith.index_cast %swap3A_590 : i32 to index
          %swap3A_602 = arith.index_cast %swap3A_591 : i32 to index
          %swap3A_603 = arith.index_cast %mul3A_587 : i32 to index
          %swap3A_604 = tpu.vector_load %swap3A_598[%swap3A_599, %swap3A_600, %swap3A_601, %swap3A_602, %swap3A_603] {strides = array<i32>} : memref<1x8x1x8x128xf32, #tpu.memory_space<vmem>>, vector<16xf32>,
          tpu.vector_store %swap3A_598[%swap3A_599, %swap3A_600, %swap3A_601, %swap3A_602, %swap3A_603], %gather3A_447 {strides = array<i32>} : memref<1x8x1x8x128xf32, #tpu.memory_space<vmem>>, vector<16xf32>,
          %mul3A_605 = arith.constant 16 : i32
          %mul3A_606 = arith.muli %add3A_431, %mul3A_605 : i32
          %swap3A_607 = arith.constant 0 : i32
          %swap3A_608 = arith.constant 0 : i32
          %swap3A_609 = arith.constant 0 : i32
          %swap3A_610 = arith.constant 2 : i32
          %swap3A_611 = arith.constant 0 : i32
          %swap3A_612 = arith.constant 0 : i32
          %swap3A_613 = arith.constant 0 : i32
          %swap3A_614 = arith.constant 0 : i32
          %swap3A_615 = arith.constant 0 : i32
          %swap3A_616 = tpu.memref_slice %run_scoped3A_8[%rem3A_330, %swap3A_611, %swap3A_612, %swap3A_613, %swap3A_614, %swap3A_615] : memref<2x1x8x1x8x128xf32, #tpu.memory_space<vmem>> -> memref<1x1x8x1x8x128xf32, #tpu.memory_space<vmem>>
          %swap3A_617 = tpu.memref_squeeze %swap3A_616 : memref<1x1x8x1x8x128xf32, #tpu.memory_space<vmem>> -> memref<1x8x1x8x128xf32, #tpu.memory_space<vmem>>
          %swap3A_618 = arith.index_cast %swap3A_607 : i32 to index
          %swap3A_619 = arith.index_cast %swap3A_608 : i32 to index
          %swap3A_620 = arith.index_cast %swap3A_609 : i32 to index
          %swap3A_621 = arith.index_cast %swap3A_610 : i32 to index
          %swap3A_622 = arith.index_cast %mul3A_606 : i32 to index
          %swap3A_623 = tpu.vector_load %swap3A_617[%swap3A_618, %swap3A_619, %swap3A_620, %swap3A_621, %swap3A_622] {strides = array<i32>} : memref<1x8x1x8x128xf32, #tpu.memory_space<vmem>>, vector<16xf32>,
          tpu.vector_store %swap3A_617[%swap3A_618, %swap3A_619, %swap3A_620, %swap3A_621, %swap3A_622], %gather3A_451 {strides = array<i32>} : memref<1x8x1x8x128xf32, #tpu.memory_space<vmem>>, vector<16xf32>,
          %mul3A_624 = arith.constant 16 : i32
          %mul3A_625 = arith.muli %add3A_431, %mul3A_624 : i32
          %swap3A_626 = arith.constant 0 : i32
          %swap3A_627 = arith.constant 0 : i32
          %swap3A_628 = arith.constant 0 : i32
          %swap3A_629 = arith.constant 3 : i32
          %swap3A_630 = arith.constant 0 : i32
          %swap3A_631 = arith.constant 0 : i32
          %swap3A_632 = arith.constant 0 : i32
          %swap3A_633 = arith.constant 0 : i32
          %swap3A_634 = arith.constant 0 : i32
          %swap3A_635 = tpu.memref_slice %run_scoped3A_8[%rem3A_330, %swap3A_630, %swap3A_631, %swap3A_632, %swap3A_633, %swap3A_634] : memref<2x1x8x1x8x128xf32, #tpu.memory_space<vmem>> -> memref<1x1x8x1x8x128xf32, #tpu.memory_space<vmem>>
          %swap3A_636 = tpu.memref_squeeze %swap3A_635 : memref<1x1x8x1x8x128xf32, #tpu.memory_space<vmem>> -> memref<1x8x1x8x128xf32, #tpu.memory_space<vmem>>
          %swap3A_637 = arith.index_cast %swap3A_626 : i32 to index
          %swap3A_638 = arith.index_cast %swap3A_627 : i32 to index
          %swap3A_639 = arith.index_cast %swap3A_628 : i32 to index
          %swap3A_640 = arith.index_cast %swap3A_629 : i32 to index
          %swap3A_641 = arith.index_cast %mul3A_625 : i32 to index
          %swap3A_642 = tpu.vector_load %swap3A_636[%swap3A_637, %swap3A_638, %swap3A_639, %swap3A_640, %swap3A_641] {strides = array<i32>} : memref<1x8x1x8x128xf32, #tpu.memory_space<vmem>>, vector<16xf32>,
          tpu.vector_store %swap3A_636[%swap3A_637, %swap3A_638, %swap3A_639, %swap3A_640, %swap3A_641], %gather3A_455 {strides = array<i32>} : memref<1x8x1x8x128xf32, #tpu.memory_space<vmem>>, vector<16xf32>,
          %mul3A_643 = arith.constant 16 : i32
          %mul3A_644 = arith.muli %add3A_431, %mul3A_643 : i32
          %swap3A_645 = arith.constant 0 : i32
          %swap3A_646 = arith.constant 0 : i32
          %swap3A_647 = arith.constant 0 : i32
          %swap3A_648 = arith.constant 4 : i32
          %swap3A_649 = arith.constant 0 : i32
          %swap3A_650 = arith.constant 0 : i32
          %swap3A_651 = arith.constant 0 : i32
          %swap3A_652 = arith.constant 0 : i32
          %swap3A_653 = arith.constant 0 : i32
          %swap3A_654 = tpu.memref_slice %run_scoped3A_8[%rem3A_330, %swap3A_649, %swap3A_650, %swap3A_651, %swap3A_652, %swap3A_653] : memref<2x1x8x1x8x128xf32, #tpu.memory_space<vmem>> -> memref<1x1x8x1x8x128xf32, #tpu.memory_space<vmem>>
          %swap3A_655 = tpu.memref_squeeze %swap3A_654 : memref<1x1x8x1x8x128xf32, #tpu.memory_space<vmem>> -> memref<1x8x1x8x128xf32, #tpu.memory_space<vmem>>
          %swap3A_656 = arith.index_cast %swap3A_645 : i32 to index
          %swap3A_657 = arith.index_cast %swap3A_646 : i32 to index
          %swap3A_658 = arith.index_cast %swap3A_647 : i32 to index
          %swap3A_659 = arith.index_cast %swap3A_648 : i32 to index
          %swap3A_660 = arith.index_cast %mul3A_644 : i32 to index
          %swap3A_661 = tpu.vector_load %swap3A_655[%swap3A_656, %swap3A_657, %swap3A_658, %swap3A_659, %swap3A_660] {strides = array<i32>} : memref<1x8x1x8x128xf32, #tpu.memory_space<vmem>>, vector<16xf32>,
          tpu.vector_store %swap3A_655[%swap3A_656, %swap3A_657, %swap3A_658, %swap3A_659, %swap3A_660], %gather3A_459 {strides = array<i32>} : memref<1x8x1x8x128xf32, #tpu.memory_space<vmem>>, vector<16xf32>,
          %mul3A_662 = arith.constant 16 : i32
          %mul3A_663 = arith.muli %add3A_431, %mul3A_662 : i32
          %swap3A_664 = arith.constant 0 : i32
          %swap3A_665 = arith.constant 0 : i32
          %swap3A_666 = arith.constant 0 : i32
          %swap3A_667 = arith.constant 5 : i32
          %swap3A_668 = arith.constant 0 : i32
          %swap3A_669 = arith.constant 0 : i32
          %swap3A_670 = arith.constant 0 : i32
          %swap3A_671 = arith.constant 0 : i32
          %swap3A_672 = arith.constant 0 : i32
          %swap3A_673 = tpu.memref_slice %run_scoped3A_8[%rem3A_330, %swap3A_668, %swap3A_669, %swap3A_670, %swap3A_671, %swap3A_672] : memref<2x1x8x1x8x128xf32, #tpu.memory_space<vmem>> -> memref<1x1x8x1x8x128xf32, #tpu.memory_space<vmem>>
          %swap3A_674 = tpu.memref_squeeze %swap3A_673 : memref<1x1x8x1x8x128xf32, #tpu.memory_space<vmem>> -> memref<1x8x1x8x128xf32, #tpu.memory_space<vmem>>
          %swap3A_675 = arith.index_cast %swap3A_664 : i32 to index
          %swap3A_676 = arith.index_cast %swap3A_665 : i32 to index
          %swap3A_677 = arith.index_cast %swap3A_666 : i32 to index
          %swap3A_678 = arith.index_cast %swap3A_667 : i32 to index
          %swap3A_679 = arith.index_cast %mul3A_663 : i32 to index
          %swap3A_680 = tpu.vector_load %swap3A_674[%swap3A_675, %swap3A_676, %swap3A_677, %swap3A_678, %swap3A_679] {strides = array<i32>} : memref<1x8x1x8x128xf32, #tpu.memory_space<vmem>>, vector<16xf32>,
          tpu.vector_store %swap3A_674[%swap3A_675, %swap3A_676, %swap3A_677, %swap3A_678, %swap3A_679], %gather3A_463 {strides = array<i32>} : memref<1x8x1x8x128xf32, #tpu.memory_space<vmem>>, vector<16xf32>,
          %mul3A_681 = arith.constant 16 : i32
          %mul3A_682 = arith.muli %add3A_431, %mul3A_681 : i32
          %swap3A_683 = arith.constant 0 : i32
          %swap3A_684 = arith.constant 0 : i32
          %swap3A_685 = arith.constant 0 : i32
          %swap3A_686 = arith.constant 6 : i32
          %swap3A_687 = arith.constant 0 : i32
          %swap3A_688 = arith.constant 0 : i32
          %swap3A_689 = arith.constant 0 : i32
          %swap3A_690 = arith.constant 0 : i32
          %swap3A_691 = arith.constant 0 : i32
          %swap3A_692 = tpu.memref_slice %run_scoped3A_8[%rem3A_330, %swap3A_687, %swap3A_688, %swap3A_689, %swap3A_690, %swap3A_691] : memref<2x1x8x1x8x128xf32, #tpu.memory_space<vmem>> -> memref<1x1x8x1x8x128xf32, #tpu.memory_space<vmem>>
          %swap3A_693 = tpu.memref_squeeze %swap3A_692 : memref<1x1x8x1x8x128xf32, #tpu.memory_space<vmem>> -> memref<1x8x1x8x128xf32, #tpu.memory_space<vmem>>
          %swap3A_694 = arith.index_cast %swap3A_683 : i32 to index
          %swap3A_695 = arith.index_cast %swap3A_684 : i32 to index
          %swap3A_696 = arith.index_cast %swap3A_685 : i32 to index
          %swap3A_697 = arith.index_cast %swap3A_686 : i32 to index
          %swap3A_698 = arith.index_cast %mul3A_682 : i32 to index
          %swap3A_699 = tpu.vector_load %swap3A_693[%swap3A_694, %swap3A_695, %swap3A_696, %swap3A_697, %swap3A_698] {strides = array<i32>} : memref<1x8x1x8x128xf32, #tpu.memory_space<vmem>>, vector<16xf32>,
          tpu.vector_store %swap3A_693[%swap3A_694, %swap3A_695, %swap3A_696, %swap3A_697, %swap3A_698], %gather3A_467 {strides = array<i32>} : memref<1x8x1x8x128xf32, #tpu.memory_space<vmem>>, vector<16xf32>,
          %mul3A_700 = arith.constant 16 : i32
          %mul3A_701 = arith.muli %add3A_431, %mul3A_700 : i32
          %swap3A_702 = arith.constant 0 : i32
          %swap3A_703 = arith.constant 0 : i32
          %swap3A_704 = arith.constant 0 : i32
          %swap3A_705 = arith.constant 7 : i32
          %swap3A_706 = arith.constant 0 : i32
          %swap3A_707 = arith.constant 0 : i32
          %swap3A_708 = arith.constant 0 : i32
          %swap3A_709 = arith.constant 0 : i32
          %swap3A_710 = arith.constant 0 : i32
          %swap3A_711 = tpu.memref_slice %run_scoped3A_8[%rem3A_330, %swap3A_706, %swap3A_707, %swap3A_708, %swap3A_709, %swap3A_710] : memref<2x1x8x1x8x128xf32, #tpu.memory_space<vmem>> -> memref<1x1x8x1x8x128xf32, #tpu.memory_space<vmem>>
          %swap3A_712 = tpu.memref_squeeze %swap3A_711 : memref<1x1x8x1x8x128xf32, #tpu.memory_space<vmem>> -> memref<1x8x1x8x128xf32, #tpu.memory_space<vmem>>
          %swap3A_713 = arith.index_cast %swap3A_702 : i32 to index
          %swap3A_714 = arith.index_cast %swap3A_703 : i32 to index
          %swap3A_715 = arith.index_cast %swap3A_704 : i32 to index
          %swap3A_716 = arith.index_cast %swap3A_705 : i32 to index
          %swap3A_717 = arith.index_cast %mul3A_701 : i32 to index
          %swap3A_718 = tpu.vector_load %swap3A_712[%swap3A_713, %swap3A_714, %swap3A_715, %swap3A_716, %swap3A_717] {strides = array<i32>} : memref<1x8x1x8x128xf32, #tpu.memory_space<vmem>>, vector<16xf32>,
          tpu.vector_store %swap3A_712[%swap3A_713, %swap3A_714, %swap3A_715, %swap3A_716, %swap3A_717], %gather3A_471 {strides = array<i32>} : memref<1x8x1x8x128xf32, #tpu.memory_space<vmem>>, vector<16xf32>,
          %mul3A_719 = arith.constant 16 : i32
          %mul3A_720 = arith.muli %add3A_431, %mul3A_719 : i32
          %swap3A_721 = arith.constant 0 : i32
          %swap3A_722 = arith.constant 1 : i32
          %swap3A_723 = arith.constant 0 : i32
          %swap3A_724 = arith.constant 0 : i32
          %swap3A_725 = arith.constant 0 : i32
          %swap3A_726 = arith.constant 0 : i32
          %swap3A_727 = arith.constant 0 : i32
          %swap3A_728 = arith.constant 0 : i32
          %swap3A_729 = arith.constant 0 : i32
          %swap3A_730 = tpu.memref_slice %run_scoped3A_8[%rem3A_330, %swap3A_725, %swap3A_726, %swap3A_727, %swap3A_728, %swap3A_729] : memref<2x1x8x1x8x128xf32, #tpu.memory_space<vmem>> -> memref<1x1x8x1x8x128xf32, #tpu.memory_space<vmem>>
          %swap3A_731 = tpu.memref_squeeze %swap3A_730 : memref<1x1x8x1x8x128xf32, #tpu.memory_space<vmem>> -> memref<1x8x1x8x128xf32, #tpu.memory_space<vmem>>
          %swap3A_732 = arith.index_cast %swap3A_721 : i32 to index
          %swap3A_733 = arith.index_cast %swap3A_722 : i32 to index
          %swap3A_734 = arith.index_cast %swap3A_723 : i32 to index
          %swap3A_735 = arith.index_cast %swap3A_724 : i32 to index
          %swap3A_736 = arith.index_cast %mul3A_720 : i32 to index
          %swap3A_737 = tpu.vector_load %swap3A_731[%swap3A_732, %swap3A_733, %swap3A_734, %swap3A_735, %swap3A_736] {strides = array<i32>} : memref<1x8x1x8x128xf32, #tpu.memory_space<vmem>>, vector<16xf32>,
          tpu.vector_store %swap3A_731[%swap3A_732, %swap3A_733, %swap3A_734, %swap3A_735, %swap3A_736], %gather3A_475 {strides = array<i32>} : memref<1x8x1x8x128xf32, #tpu.memory_space<vmem>>, vector<16xf32>,
          %mul3A_738 = arith.constant 16 : i32
          %mul3A_739 = arith.muli %add3A_431, %mul3A_738 : i32
          %swap3A_740 = arith.constant 0 : i32
          %swap3A_741 = arith.constant 1 : i32
          %swap3A_742 = arith.constant 0 : i32
          %swap3A_743 = arith.constant 1 : i32
          %swap3A_744 = arith.constant 0 : i32
          %swap3A_745 = arith.constant 0 : i32
          %swap3A_746 = arith.constant 0 : i32
          %swap3A_747 = arith.constant 0 : i32
          %swap3A_748 = arith.constant 0 : i32
          %swap3A_749 = tpu.memref_slice %run_scoped3A_8[%rem3A_330, %swap3A_744, %swap3A_745, %swap3A_746, %swap3A_747, %swap3A_748] : memref<2x1x8x1x8x128xf32, #tpu.memory_space<vmem>> -> memref<1x1x8x1x8x128xf32, #tpu.memory_space<vmem>>
          %swap3A_750 = tpu.memref_squeeze %swap3A_749 : memref<1x1x8x1x8x128xf32, #tpu.memory_space<vmem>> -> memref<1x8x1x8x128xf32, #tpu.memory_space<vmem>>
          %swap3A_751 = arith.index_cast %swap3A_740 : i32 to index
          %swap3A_752 = arith.index_cast %swap3A_741 : i32 to index
          %swap3A_753 = arith.index_cast %swap3A_742 : i32 to index
          %swap3A_754 = arith.index_cast %swap3A_743 : i32 to index
          %swap3A_755 = arith.index_cast %mul3A_739 : i32 to index
          %swap3A_756 = tpu.vector_load %swap3A_750[%swap3A_751, %swap3A_752, %swap3A_753, %swap3A_754, %swap3A_755] {strides = array<i32>} : memref<1x8x1x8x128xf32, #tpu.memory_space<vmem>>, vector<16xf32>,
          tpu.vector_store %swap3A_750[%swap3A_751, %swap3A_752, %swap3A_753, %swap3A_754, %swap3A_755], %gather3A_479 {strides = array<i32>} : memref<1x8x1x8x128xf32, #tpu.memory_space<vmem>>, vector<16xf32>,
          %mul3A_757 = arith.constant 16 : i32
          %mul3A_758 = arith.muli %add3A_431, %mul3A_757 : i32
          %swap3A_759 = arith.constant 0 : i32
          %swap3A_760 = arith.constant 1 : i32
          %swap3A_761 = arith.constant 0 : i32
          %swap3A_762 = arith.constant 2 : i32
          %swap3A_763 = arith.constant 0 : i32
          %swap3A_764 = arith.constant 0 : i32
          %swap3A_765 = arith.constant 0 : i32
          %swap3A_766 = arith.constant 0 : i32
          %swap3A_767 = arith.constant 0 : i32
          %swap3A_768 = tpu.memref_slice %run_scoped3A_8[%rem3A_330, %swap3A_763, %swap3A_764, %swap3A_765, %swap3A_766, %swap3A_767] : memref<2x1x8x1x8x128xf32, #tpu.memory_space<vmem>> -> memref<1x1x8x1x8x128xf32, #tpu.memory_space<vmem>>
          %swap3A_769 = tpu.memref_squeeze %swap3A_768 : memref<1x1x8x1x8x128xf32, #tpu.memory_space<vmem>> -> memref<1x8x1x8x128xf32, #tpu.memory_space<vmem>>
          %swap3A_770 = arith.index_cast %swap3A_759 : i32 to index
          %swap3A_771 = arith.index_cast %swap3A_760 : i32 to index
          %swap3A_772 = arith.index_cast %swap3A_761 : i32 to index
          %swap3A_773 = arith.index_cast %swap3A_762 : i32 to index
          %swap3A_774 = arith.index_cast %mul3A_758 : i32 to index
          %swap3A_775 = tpu.vector_load %swap3A_769[%swap3A_770, %swap3A_771, %swap3A_772, %swap3A_773, %swap3A_774] {strides = array<i32>} : memref<1x8x1x8x128xf32, #tpu.memory_space<vmem>>, vector<16xf32>,
          tpu.vector_store %swap3A_769[%swap3A_770, %swap3A_771, %swap3A_772, %swap3A_773, %swap3A_774], %gather3A_483 {strides = array<i32>} : memref<1x8x1x8x128xf32, #tpu.memory_space<vmem>>, vector<16xf32>,
          %mul3A_776 = arith.constant 16 : i32
          %mul3A_777 = arith.muli %add3A_431, %mul3A_776 : i32
          %swap3A_778 = arith.constant 0 : i32
          %swap3A_779 = arith.constant 1 : i32
          %swap3A_780 = arith.constant 0 : i32
          %swap3A_781 = arith.constant 3 : i32
          %swap3A_782 = arith.constant 0 : i32
          %swap3A_783 = arith.constant 0 : i32
          %swap3A_784 = arith.constant 0 : i32
          %swap3A_785 = arith.constant 0 : i32
          %swap3A_786 = arith.constant 0 : i32
          %swap3A_787 = tpu.memref_slice %run_scoped3A_8[%rem3A_330, %swap3A_782, %swap3A_783, %swap3A_784, %swap3A_785, %swap3A_786] : memref<2x1x8x1x8x128xf32, #tpu.memory_space<vmem>> -> memref<1x1x8x1x8x128xf32, #tpu.memory_space<vmem>>
          %swap3A_788 = tpu.memref_squeeze %swap3A_787 : memref<1x1x8x1x8x128xf32, #tpu.memory_space<vmem>> -> memref<1x8x1x8x128xf32, #tpu.memory_space<vmem>>
          %swap3A_789 = arith.index_cast %swap3A_778 : i32 to index
          %swap3A_790 = arith.index_cast %swap3A_779 : i32 to index
          %swap3A_791 = arith.index_cast %swap3A_780 : i32 to index
          %swap3A_792 = arith.index_cast %swap3A_781 : i32 to index
          %swap3A_793 = arith.index_cast %mul3A_777 : i32 to index
          %swap3A_794 = tpu.vector_load %swap3A_788[%swap3A_789, %swap3A_790, %swap3A_791, %swap3A_792, %swap3A_793] {strides = array<i32>} : memref<1x8x1x8x128xf32, #tpu.memory_space<vmem>>, vector<16xf32>,
          tpu.vector_store %swap3A_788[%swap3A_789, %swap3A_790, %swap3A_791, %swap3A_792, %swap3A_793], %gather3A_487 {strides = array<i32>} : memref<1x8x1x8x128xf32, #tpu.memory_space<vmem>>, vector<16xf32>,
          %mul3A_795 = arith.constant 16 : i32
          %mul3A_796 = arith.muli %add3A_431, %mul3A_795 : i32
          %swap3A_797 = arith.constant 0 : i32
          %swap3A_798 = arith.constant 1 : i32
          %swap3A_799 = arith.constant 0 : i32
          %swap3A_800 = arith.constant 4 : i32
          %swap3A_801 = arith.constant 0 : i32
          %swap3A_802 = arith.constant 0 : i32
          %swap3A_803 = arith.constant 0 : i32
          %swap3A_804 = arith.constant 0 : i32
          %swap3A_805 = arith.constant 0 : i32
          %swap3A_806 = tpu.memref_slice %run_scoped3A_8[%rem3A_330, %swap3A_801, %swap3A_802, %swap3A_803, %swap3A_804, %swap3A_805] : memref<2x1x8x1x8x128xf32, #tpu.memory_space<vmem>> -> memref<1x1x8x1x8x128xf32, #tpu.memory_space<vmem>>
          %swap3A_807 = tpu.memref_squeeze %swap3A_806 : memref<1x1x8x1x8x128xf32, #tpu.memory_space<vmem>> -> memref<1x8x1x8x128xf32, #tpu.memory_space<vmem>>
          %swap3A_808 = arith.index_cast %swap3A_797 : i32 to index
          %swap3A_809 = arith.index_cast %swap3A_798 : i32 to index
          %swap3A_810 = arith.index_cast %swap3A_799 : i32 to index
          %swap3A_811 = arith.index_cast %swap3A_800 : i32 to index
          %swap3A_812 = arith.index_cast %mul3A_796 : i32 to index
          %swap3A_813 = tpu.vector_load %swap3A_807[%swap3A_808, %swap3A_809, %swap3A_810, %swap3A_811, %swap3A_812] {strides = array<i32>} : memref<1x8x1x8x128xf32, #tpu.memory_space<vmem>>, vector<16xf32>,
          tpu.vector_store %swap3A_807[%swap3A_808, %swap3A_809, %swap3A_810, %swap3A_811, %swap3A_812], %gather3A_491 {strides = array<i32>} : memref<1x8x1x8x128xf32, #tpu.memory_space<vmem>>, vector<16xf32>,
          %mul3A_814 = arith.constant 16 : i32
          %mul3A_815 = arith.muli %add3A_431, %mul3A_814 : i32
          %swap3A_816 = arith.constant 0 : i32
          %swap3A_817 = arith.constant 1 : i32
          %swap3A_818 = arith.constant 0 : i32
          %swap3A_819 = arith.constant 5 : i32
          %swap3A_820 = arith.constant 0 : i32
          %swap3A_821 = arith.constant 0 : i32
          %swap3A_822 = arith.constant 0 : i32
          %swap3A_823 = arith.constant 0 : i32
          %swap3A_824 = arith.constant 0 : i32
          %swap3A_825 = tpu.memref_slice %run_scoped3A_8[%rem3A_330, %swap3A_820, %swap3A_821, %swap3A_822, %swap3A_823, %swap3A_824] : memref<2x1x8x1x8x128xf32, #tpu.memory_space<vmem>> -> memref<1x1x8x1x8x128xf32, #tpu.memory_space<vmem>>
          %swap3A_826 = tpu.memref_squeeze %swap3A_825 : memref<1x1x8x1x8x128xf32, #tpu.memory_space<vmem>> -> memref<1x8x1x8x128xf32, #tpu.memory_space<vmem>>
          %swap3A_827 = arith.index_cast %swap3A_816 : i32 to index
          %swap3A_828 = arith.index_cast %swap3A_817 : i32 to index
          %swap3A_829 = arith.index_cast %swap3A_818 : i32 to index
          %swap3A_830 = arith.index_cast %swap3A_819 : i32 to index
          %swap3A_831 = arith.index_cast %mul3A_815 : i32 to index
          %swap3A_832 = tpu.vector_load %swap3A_826[%swap3A_827, %swap3A_828, %swap3A_829, %swap3A_830, %swap3A_831] {strides = array<i32>} : memref<1x8x1x8x128xf32, #tpu.memory_space<vmem>>, vector<16xf32>,
          tpu.vector_store %swap3A_826[%swap3A_827, %swap3A_828, %swap3A_829, %swap3A_830, %swap3A_831], %gather3A_495 {strides = array<i32>} : memref<1x8x1x8x128xf32, #tpu.memory_space<vmem>>, vector<16xf32>,
          %mul3A_833 = arith.constant 16 : i32
          %mul3A_834 = arith.muli %add3A_431, %mul3A_833 : i32
          %swap3A_835 = arith.constant 0 : i32
          %swap3A_836 = arith.constant 1 : i32
          %swap3A_837 = arith.constant 0 : i32
          %swap3A_838 = arith.constant 6 : i32
          %swap3A_839 = arith.constant 0 : i32
          %swap3A_840 = arith.constant 0 : i32
          %swap3A_841 = arith.constant 0 : i32
          %swap3A_842 = arith.constant 0 : i32
          %swap3A_843 = arith.constant 0 : i32
          %swap3A_844 = tpu.memref_slice %run_scoped3A_8[%rem3A_330, %swap3A_839, %swap3A_840, %swap3A_841, %swap3A_842, %swap3A_843] : memref<2x1x8x1x8x128xf32, #tpu.memory_space<vmem>> -> memref<1x1x8x1x8x128xf32, #tpu.memory_space<vmem>>
          %swap3A_845 = tpu.memref_squeeze %swap3A_844 : memref<1x1x8x1x8x128xf32, #tpu.memory_space<vmem>> -> memref<1x8x1x8x128xf32, #tpu.memory_space<vmem>>
          %swap3A_846 = arith.index_cast %swap3A_835 : i32 to index
          %swap3A_847 = arith.index_cast %swap3A_836 : i32 to index
          %swap3A_848 = arith.index_cast %swap3A_837 : i32 to index
          %swap3A_849 = arith.index_cast %swap3A_838 : i32 to index
          %swap3A_850 = arith.index_cast %mul3A_834 : i32 to index
          %swap3A_851 = tpu.vector_load %swap3A_845[%swap3A_846, %swap3A_847, %swap3A_848, %swap3A_849, %swap3A_850] {strides = array<i32>} : memref<1x8x1x8x128xf32, #tpu.memory_space<vmem>>, vector<16xf32>,
          tpu.vector_store %swap3A_845[%swap3A_846, %swap3A_847, %swap3A_848, %swap3A_849, %swap3A_850], %gather3A_499 {strides = array<i32>} : memref<1x8x1x8x128xf32, #tpu.memory_space<vmem>>, vector<16xf32>,
          %mul3A_852 = arith.constant 16 : i32
          %mul3A_853 = arith.muli %add3A_431, %mul3A_852 : i32
          %swap3A_854 = arith.constant 0 : i32
          %swap3A_855 = arith.constant 1 : i32
          %swap3A_856 = arith.constant 0 : i32
          %swap3A_857 = arith.constant 7 : i32
          %swap3A_858 = arith.constant 0 : i32
          %swap3A_859 = arith.constant 0 : i32
          %swap3A_860 = arith.constant 0 : i32
          %swap3A_861 = arith.constant 0 : i32
          %swap3A_862 = arith.constant 0 : i32
          %swap3A_863 = tpu.memref_slice %run_scoped3A_8[%rem3A_330, %swap3A_858, %swap3A_859, %swap3A_860, %swap3A_861, %swap3A_862] : memref<2x1x8x1x8x128xf32, #tpu.memory_space<vmem>> -> memref<1x1x8x1x8x128xf32, #tpu.memory_space<vmem>>
          %swap3A_864 = tpu.memref_squeeze %swap3A_863 : memref<1x1x8x1x8x128xf32, #tpu.memory_space<vmem>> -> memref<1x8x1x8x128xf32, #tpu.memory_space<vmem>>
          %swap3A_865 = arith.index_cast %swap3A_854 : i32 to index
          %swap3A_866 = arith.index_cast %swap3A_855 : i32 to index
          %swap3A_867 = arith.index_cast %swap3A_856 : i32 to index
          %swap3A_868 = arith.index_cast %swap3A_857 : i32 to index
          %swap3A_869 = arith.index_cast %mul3A_853 : i32 to index
          %swap3A_870 = tpu.vector_load %swap3A_864[%swap3A_865, %swap3A_866, %swap3A_867, %swap3A_868, %swap3A_869] {strides = array<i32>} : memref<1x8x1x8x128xf32, #tpu.memory_space<vmem>>, vector<16xf32>,
          tpu.vector_store %swap3A_864[%swap3A_865, %swap3A_866, %swap3A_867, %swap3A_868, %swap3A_869], %gather3A_503 {strides = array<i32>} : memref<1x8x1x8x128xf32, #tpu.memory_space<vmem>>, vector<16xf32>,
          %add3A_871 = arith.constant 5376 : i32
          %add3A_872 = vector.broadcast %add3A_871 : i32 to vector<16xi32>
          %add3A_873 = arith.addi %get3A_440, %add3A_872 : vector<16xi32>
          %gather3A_874 = tpu.vector_load_idx %arg5[%add3A_873] : memref<10752xf32, #tpu.memory_space<vmem>>[vector<16xi32>], vector<16xf32>,
          %add3A_875 = arith.constant 5544 : i32
          %add3A_876 = vector.broadcast %add3A_875 : i32 to vector<16xi32>
          %add3A_877 = arith.addi %get3A_440, %add3A_876 : vector<16xi32>
          %gather3A_878 = tpu.vector_load_idx %arg5[%add3A_877] : memref<10752xf32, #tpu.memory_space<vmem>>[vector<16xi32>], vector<16xf32>,
          %add3A_879 = arith.constant 5712 : i32
          %add3A_880 = vector.broadcast %add3A_879 : i32 to vector<16xi32>
          %add3A_881 = arith.addi %get3A_440, %add3A_880 : vector<16xi32>
          %gather3A_882 = tpu.vector_load_idx %arg5[%add3A_881] : memref<10752xf32, #tpu.memory_space<vmem>>[vector<16xi32>], vector<16xf32>,
          %add3A_883 = arith.constant 5880 : i32
          %add3A_884 = vector.broadcast %add3A_883 : i32 to vector<16xi32>
          %add3A_885 = arith.addi %get3A_440, %add3A_884 : vector<16xi32>
          %gather3A_886 = tpu.vector_load_idx %arg5[%add3A_885] : memref<10752xf32, #tpu.memory_space<vmem>>[vector<16xi32>], vector<16xf32>,
          %add3A_887 = arith.constant 6048 : i32
          %add3A_888 = vector.broadcast %add3A_887 : i32 to vector<16xi32>
          %add3A_889 = arith.addi %get3A_440, %add3A_888 : vector<16xi32>
          %gather3A_890 = tpu.vector_load_idx %arg5[%add3A_889] : memref<10752xf32, #tpu.memory_space<vmem>>[vector<16xi32>], vector<16xf32>,
          %add3A_891 = arith.constant 6216 : i32
          %add3A_892 = vector.broadcast %add3A_891 : i32 to vector<16xi32>
          %add3A_893 = arith.addi %get3A_440, %add3A_892 : vector<16xi32>
          %gather3A_894 = tpu.vector_load_idx %arg5[%add3A_893] : memref<10752xf32, #tpu.memory_space<vmem>>[vector<16xi32>], vector<16xf32>,
          %add3A_895 = arith.constant 6384 : i32
          %add3A_896 = vector.broadcast %add3A_895 : i32 to vector<16xi32>
          %add3A_897 = arith.addi %get3A_440, %add3A_896 : vector<16xi32>
          %gather3A_898 = tpu.vector_load_idx %arg5[%add3A_897] : memref<10752xf32, #tpu.memory_space<vmem>>[vector<16xi32>], vector<16xf32>,
          %add3A_899 = arith.constant 6552 : i32
          %add3A_900 = vector.broadcast %add3A_899 : i32 to vector<16xi32>
          %add3A_901 = arith.addi %get3A_440, %add3A_900 : vector<16xi32>
          %gather3A_902 = tpu.vector_load_idx %arg5[%add3A_901] : memref<10752xf32, #tpu.memory_space<vmem>>[vector<16xi32>], vector<16xf32>,
          %add3A_903 = arith.constant 6720 : i32
          %add3A_904 = vector.broadcast %add3A_903 : i32 to vector<16xi32>
          %add3A_905 = arith.addi %get3A_440, %add3A_904 : vector<16xi32>
          %gather3A_906 = tpu.vector_load_idx %arg5[%add3A_905] : memref<10752xf32, #tpu.memory_space<vmem>>[vector<16xi32>], vector<16xf32>,
          %add3A_907 = arith.constant 6888 : i32
          %add3A_908 = vector.broadcast %add3A_907 : i32 to vector<16xi32>
          %add3A_909 = arith.addi %get3A_440, %add3A_908 : vector<16xi32>
          %gather3A_910 = tpu.vector_load_idx %arg5[%add3A_909] : memref<10752xf32, #tpu.memory_space<vmem>>[vector<16xi32>], vector<16xf32>,
          %add3A_911 = arith.constant 7056 : i32
          %add3A_912 = vector.broadcast %add3A_911 : i32 to vector<16xi32>
          %add3A_913 = arith.addi %get3A_440, %add3A_912 : vector<16xi32>
          %gather3A_914 = tpu.vector_load_idx %arg5[%add3A_913] : memref<10752xf32, #tpu.memory_space<vmem>>[vector<16xi32>], vector<16xf32>,
          %add3A_915 = arith.constant 7224 : i32
          %add3A_916 = vector.broadcast %add3A_915 : i32 to vector<16xi32>
          %add3A_917 = arith.addi %get3A_440, %add3A_916 : vector<16xi32>
          %gather3A_918 = tpu.vector_load_idx %arg5[%add3A_917] : memref<10752xf32, #tpu.memory_space<vmem>>[vector<16xi32>], vector<16xf32>,
          %add3A_919 = arith.constant 7392 : i32
          %add3A_920 = vector.broadcast %add3A_919 : i32 to vector<16xi32>
          %add3A_921 = arith.addi %get3A_440, %add3A_920 : vector<16xi32>
          %gather3A_922 = tpu.vector_load_idx %arg5[%add3A_921] : memref<10752xf32, #tpu.memory_space<vmem>>[vector<16xi32>], vector<16xf32>,
          %add3A_923 = arith.constant 7560 : i32
          %add3A_924 = vector.broadcast %add3A_923 : i32 to vector<16xi32>
          %add3A_925 = arith.addi %get3A_440, %add3A_924 : vector<16xi32>
          %gather3A_926 = tpu.vector_load_idx %arg5[%add3A_925] : memref<10752xf32, #tpu.memory_space<vmem>>[vector<16xi32>], vector<16xf32>,
          %add3A_927 = arith.constant 7728 : i32
          %add3A_928 = vector.broadcast %add3A_927 : i32 to vector<16xi32>
          %add3A_929 = arith.addi %get3A_440, %add3A_928 : vector<16xi32>
          %gather3A_930 = tpu.vector_load_idx %arg5[%add3A_929] : memref<10752xf32, #tpu.memory_space<vmem>>[vector<16xi32>], vector<16xf32>,
          %add3A_931 = arith.constant 7896 : i32
          %add3A_932 = vector.broadcast %add3A_931 : i32 to vector<16xi32>
          %add3A_933 = arith.addi %get3A_440, %add3A_932 : vector<16xi32>
          %gather3A_934 = tpu.vector_load_idx %arg5[%add3A_933] : memref<10752xf32, #tpu.memory_space<vmem>>[vector<16xi32>], vector<16xf32>,
          %mul3A_935 = arith.constant 16 : i32
          %mul3A_936 = arith.muli %add3A_431, %mul3A_935 : i32
          %swap3A_937 = arith.constant 0 : i32
          %swap3A_938 = arith.constant 2 : i32
          %swap3A_939 = arith.constant 0 : i32
          %swap3A_940 = arith.constant 0 : i32
          %swap3A_941 = arith.constant 0 : i32
          %swap3A_942 = arith.constant 0 : i32
          %swap3A_943 = arith.constant 0 : i32
          %swap3A_944 = arith.constant 0 : i32
          %swap3A_945 = arith.constant 0 : i32
          %swap3A_946 = tpu.memref_slice %run_scoped3A_8[%rem3A_330, %swap3A_941, %swap3A_942, %swap3A_943, %swap3A_944, %swap3A_945] : memref<2x1x8x1x8x128xf32, #tpu.memory_space<vmem>> -> memref<1x1x8x1x8x128xf32, #tpu.memory_space<vmem>>
          %swap3A_947 = tpu.memref_squeeze %swap3A_946 : memref<1x1x8x1x8x128xf32, #tpu.memory_space<vmem>> -> memref<1x8x1x8x128xf32, #tpu.memory_space<vmem>>
          %swap3A_948 = arith.index_cast %swap3A_937 : i32 to index
          %swap3A_949 = arith.index_cast %swap3A_938 : i32 to index
          %swap3A_950 = arith.index_cast %swap3A_939 : i32 to index
          %swap3A_951 = arith.index_cast %swap3A_940 : i32 to index
          %swap3A_952 = arith.index_cast %mul3A_936 : i32 to index
          %swap3A_953 = tpu.vector_load %swap3A_947[%swap3A_948, %swap3A_949, %swap3A_950, %swap3A_951, %swap3A_952] {strides = array<i32>} : memref<1x8x1x8x128xf32, #tpu.memory_space<vmem>>, vector<16xf32>,
          tpu.vector_store %swap3A_947[%swap3A_948, %swap3A_949, %swap3A_950, %swap3A_951, %swap3A_952], %gather3A_507 {strides = array<i32>} : memref<1x8x1x8x128xf32, #tpu.memory_space<vmem>>, vector<16xf32>,
          %mul3A_954 = arith.constant 16 : i32
          %mul3A_955 = arith.muli %add3A_431, %mul3A_954 : i32
          %swap3A_956 = arith.constant 0 : i32
          %swap3A_957 = arith.constant 2 : i32
          %swap3A_958 = arith.constant 0 : i32
          %swap3A_959 = arith.constant 1 : i32
          %swap3A_960 = arith.constant 0 : i32
          %swap3A_961 = arith.constant 0 : i32
          %swap3A_962 = arith.constant 0 : i32
          %swap3A_963 = arith.constant 0 : i32
          %swap3A_964 = arith.constant 0 : i32
          %swap3A_965 = tpu.memref_slice %run_scoped3A_8[%rem3A_330, %swap3A_960, %swap3A_961, %swap3A_962, %swap3A_963, %swap3A_964] : memref<2x1x8x1x8x128xf32, #tpu.memory_space<vmem>> -> memref<1x1x8x1x8x128xf32, #tpu.memory_space<vmem>>
          %swap3A_966 = tpu.memref_squeeze %swap3A_965 : memref<1x1x8x1x8x128xf32, #tpu.memory_space<vmem>> -> memref<1x8x1x8x128xf32, #tpu.memory_space<vmem>>
          %swap3A_967 = arith.index_cast %swap3A_956 : i32 to index
          %swap3A_968 = arith.index_cast %swap3A_957 : i32 to index
          %swap3A_969 = arith.index_cast %swap3A_958 : i32 to index
          %swap3A_970 = arith.index_cast %swap3A_959 : i32 to index
          %swap3A_971 = arith.index_cast %mul3A_955 : i32 to index
          %swap3A_972 = tpu.vector_load %swap3A_966[%swap3A_967, %swap3A_968, %swap3A_969, %swap3A_970, %swap3A_971] {strides = array<i32>} : memref<1x8x1x8x128xf32, #tpu.memory_space<vmem>>, vector<16xf32>,
          tpu.vector_store %swap3A_966[%swap3A_967, %swap3A_968, %swap3A_969, %swap3A_970, %swap3A_971], %gather3A_511 {strides = array<i32>} : memref<1x8x1x8x128xf32, #tpu.memory_space<vmem>>, vector<16xf32>,
          %mul3A_973 = arith.constant 16 : i32
          %mul3A_974 = arith.muli %add3A_431, %mul3A_973 : i32
          %swap3A_975 = arith.constant 0 : i32
          %swap3A_976 = arith.constant 2 : i32
          %swap3A_977 = arith.constant 0 : i32
          %swap3A_978 = arith.constant 2 : i32
          %swap3A_979 = arith.constant 0 : i32
          %swap3A_980 = arith.constant 0 : i32
          %swap3A_981 = arith.constant 0 : i32
          %swap3A_982 = arith.constant 0 : i32
          %swap3A_983 = arith.constant 0 : i32
          %swap3A_984 = tpu.memref_slice %run_scoped3A_8[%rem3A_330, %swap3A_979, %swap3A_980, %swap3A_981, %swap3A_982, %swap3A_983] : memref<2x1x8x1x8x128xf32, #tpu.memory_space<vmem>> -> memref<1x1x8x1x8x128xf32, #tpu.memory_space<vmem>>
          %swap3A_985 = tpu.memref_squeeze %swap3A_984 : memref<1x1x8x1x8x128xf32, #tpu.memory_space<vmem>> -> memref<1x8x1x8x128xf32, #tpu.memory_space<vmem>>
          %swap3A_986 = arith.index_cast %swap3A_975 : i32 to index
          %swap3A_987 = arith.index_cast %swap3A_976 : i32 to index
          %swap3A_988 = arith.index_cast %swap3A_977 : i32 to index
          %swap3A_989 = arith.index_cast %swap3A_978 : i32 to index
          %swap3A_990 = arith.index_cast %mul3A_974 : i32 to index
          %swap3A_991 = tpu.vector_load %swap3A_985[%swap3A_986, %swap3A_987, %swap3A_988, %swap3A_989, %swap3A_990] {strides = array<i32>} : memref<1x8x1x8x128xf32, #tpu.memory_space<vmem>>, vector<16xf32>,
          tpu.vector_store %swap3A_985[%swap3A_986, %swap3A_987, %swap3A_988, %swap3A_989, %swap3A_990], %gather3A_515 {strides = array<i32>} : memref<1x8x1x8x128xf32, #tpu.memory_space<vmem>>, vector<16xf32>,
          %mul3A_992 = arith.constant 16 : i32
          %mul3A_993 = arith.muli %add3A_431, %mul3A_992 : i32
          %swap3A_994 = arith.constant 0 : i32
          %swap3A_995 = arith.constant 2 : i32
          %swap3A_996 = arith.constant 0 : i32
          %swap3A_997 = arith.constant 3 : i32
          %swap3A_998 = arith.constant 0 : i32
          %swap3A_999 = arith.constant 0 : i32
          %swap3A_1000 = arith.constant 0 : i32
          %swap3A_1001 = arith.constant 0 : i32
          %swap3A_1002 = arith.constant 0 : i32
          %swap3A_1003 = tpu.memref_slice %run_scoped3A_8[%rem3A_330, %swap3A_998, %swap3A_999, %swap3A_1000, %swap3A_1001, %swap3A_1002] : memref<2x1x8x1x8x128xf32, #tpu.memory_space<vmem>> -> memref<1x1x8x1x8x128xf32, #tpu.memory_space<vmem>>
          %swap3A_1004 = tpu.memref_squeeze %swap3A_1003 : memref<1x1x8x1x8x128xf32, #tpu.memory_space<vmem>> -> memref<1x8x1x8x128xf32, #tpu.memory_space<vmem>>
          %swap3A_1005 = arith.index_cast %swap3A_994 : i32 to index
          %swap3A_1006 = arith.index_cast %swap3A_995 : i32 to index
          %swap3A_1007 = arith.index_cast %swap3A_996 : i32 to index
          %swap3A_1008 = arith.index_cast %swap3A_997 : i32 to index
          %swap3A_1009 = arith.index_cast %mul3A_993 : i32 to index
          %swap3A_1010 = tpu.vector_load %swap3A_1004[%swap3A_1005, %swap3A_1006, %swap3A_1007, %swap3A_1008, %swap3A_1009] {strides = array<i32>} : memref<1x8x1x8x128xf32, #tpu.memory_space<vmem>>, vector<16xf32>,
          tpu.vector_store %swap3A_1004[%swap3A_1005, %swap3A_1006, %swap3A_1007, %swap3A_1008, %swap3A_1009], %gather3A_519 {strides = array<i32>} : memref<1x8x1x8x128xf32, #tpu.memory_space<vmem>>, vector<16xf32>,
          %mul3A_1011 = arith.constant 16 : i32
          %mul3A_1012 = arith.muli %add3A_431, %mul3A_1011 : i32
          %swap3A_1013 = arith.constant 0 : i32
          %swap3A_1014 = arith.constant 2 : i32
          %swap3A_1015 = arith.constant 0 : i32
          %swap3A_1016 = arith.constant 4 : i32
          %swap3A_1017 = arith.constant 0 : i32
          %swap3A_1018 = arith.constant 0 : i32
          %swap3A_1019 = arith.constant 0 : i32
          %swap3A_1020 = arith.constant 0 : i32
          %swap3A_1021 = arith.constant 0 : i32
          %swap3A_1022 = tpu.memref_slice %run_scoped3A_8[%rem3A_330, %swap3A_1017, %swap3A_1018, %swap3A_1019, %swap3A_1020, %swap3A_1021] : memref<2x1x8x1x8x128xf32, #tpu.memory_space<vmem>> -> memref<1x1x8x1x8x128xf32, #tpu.memory_space<vmem>>
          %swap3A_1023 = tpu.memref_squeeze %swap3A_1022 : memref<1x1x8x1x8x128xf32, #tpu.memory_space<vmem>> -> memref<1x8x1x8x128xf32, #tpu.memory_space<vmem>>
          %swap3A_1024 = arith.index_cast %swap3A_1013 : i32 to index
          %swap3A_1025 = arith.index_cast %swap3A_1014 : i32 to index
          %swap3A_1026 = arith.index_cast %swap3A_1015 : i32 to index
          %swap3A_1027 = arith.index_cast %swap3A_1016 : i32 to index
          %swap3A_1028 = arith.index_cast %mul3A_1012 : i32 to index
          %swap3A_1029 = tpu.vector_load %swap3A_1023[%swap3A_1024, %swap3A_1025, %swap3A_1026, %swap3A_1027, %swap3A_1028] {strides = array<i32>} : memref<1x8x1x8x128xf32, #tpu.memory_space<vmem>>, vector<16xf32>,
          tpu.vector_store %swap3A_1023[%swap3A_1024, %swap3A_1025, %swap3A_1026, %swap3A_1027, %swap3A_1028], %gather3A_523 {strides = array<i32>} : memref<1x8x1x8x128xf32, #tpu.memory_space<vmem>>, vector<16xf32>,
          %mul3A_1030 = arith.constant 16 : i32
          %mul3A_1031 = arith.muli %add3A_431, %mul3A_1030 : i32
          %swap3A_1032 = arith.constant 0 : i32
          %swap3A_1033 = arith.constant 2 : i32
          %swap3A_1034 = arith.constant 0 : i32
          %swap3A_1035 = arith.constant 5 : i32
          %swap3A_1036 = arith.constant 0 : i32
          %swap3A_1037 = arith.constant 0 : i32
          %swap3A_1038 = arith.constant 0 : i32
          %swap3A_1039 = arith.constant 0 : i32
          %swap3A_1040 = arith.constant 0 : i32
          %swap3A_1041 = tpu.memref_slice %run_scoped3A_8[%rem3A_330, %swap3A_1036, %swap3A_1037, %swap3A_1038, %swap3A_1039, %swap3A_1040] : memref<2x1x8x1x8x128xf32, #tpu.memory_space<vmem>> -> memref<1x1x8x1x8x128xf32, #tpu.memory_space<vmem>>
          %swap3A_1042 = tpu.memref_squeeze %swap3A_1041 : memref<1x1x8x1x8x128xf32, #tpu.memory_space<vmem>> -> memref<1x8x1x8x128xf32, #tpu.memory_space<vmem>>
          %swap3A_1043 = arith.index_cast %swap3A_1032 : i32 to index
          %swap3A_1044 = arith.index_cast %swap3A_1033 : i32 to index
          %swap3A_1045 = arith.index_cast %swap3A_1034 : i32 to index
          %swap3A_1046 = arith.index_cast %swap3A_1035 : i32 to index
          %swap3A_1047 = arith.index_cast %mul3A_1031 : i32 to index
          %swap3A_1048 = tpu.vector_load %swap3A_1042[%swap3A_1043, %swap3A_1044, %swap3A_1045, %swap3A_1046, %swap3A_1047] {strides = array<i32>} : memref<1x8x1x8x128xf32, #tpu.memory_space<vmem>>, vector<16xf32>,
          tpu.vector_store %swap3A_1042[%swap3A_1043, %swap3A_1044, %swap3A_1045, %swap3A_1046, %swap3A_1047], %gather3A_527 {strides = array<i32>} : memref<1x8x1x8x128xf32, #tpu.memory_space<vmem>>, vector<16xf32>,
          %mul3A_1049 = arith.constant 16 : i32
          %mul3A_1050 = arith.muli %add3A_431, %mul3A_1049 : i32
          %swap3A_1051 = arith.constant 0 : i32
          %swap3A_1052 = arith.constant 2 : i32
          %swap3A_1053 = arith.constant 0 : i32
          %swap3A_1054 = arith.constant 6 : i32
          %swap3A_1055 = arith.constant 0 : i32
          %swap3A_1056 = arith.constant 0 : i32
          %swap3A_1057 = arith.constant 0 : i32
          %swap3A_1058 = arith.constant 0 : i32
          %swap3A_1059 = arith.constant 0 : i32
          %swap3A_1060 = tpu.memref_slice %run_scoped3A_8[%rem3A_330, %swap3A_1055, %swap3A_1056, %swap3A_1057, %swap3A_1058, %swap3A_1059] : memref<2x1x8x1x8x128xf32, #tpu.memory_space<vmem>> -> memref<1x1x8x1x8x128xf32, #tpu.memory_space<vmem>>
          %swap3A_1061 = tpu.memref_squeeze %swap3A_1060 : memref<1x1x8x1x8x128xf32, #tpu.memory_space<vmem>> -> memref<1x8x1x8x128xf32, #tpu.memory_space<vmem>>
          %swap3A_1062 = arith.index_cast %swap3A_1051 : i32 to index
          %swap3A_1063 = arith.index_cast %swap3A_1052 : i32 to index
          %swap3A_1064 = arith.index_cast %swap3A_1053 : i32 to index
          %swap3A_1065 = arith.index_cast %swap3A_1054 : i32 to index
          %swap3A_1066 = arith.index_cast %mul3A_1050 : i32 to index
          %swap3A_1067 = tpu.vector_load %swap3A_1061[%swap3A_1062, %swap3A_1063, %swap3A_1064, %swap3A_1065, %swap3A_1066] {strides = array<i32>} : memref<1x8x1x8x128xf32, #tpu.memory_space<vmem>>, vector<16xf32>,
          tpu.vector_store %swap3A_1061[%swap3A_1062, %swap3A_1063, %swap3A_1064, %swap3A_1065, %swap3A_1066], %gather3A_531 {strides = array<i32>} : memref<1x8x1x8x128xf32, #tpu.memory_space<vmem>>, vector<16xf32>,
          %mul3A_1068 = arith.constant 16 : i32
          %mul3A_1069 = arith.muli %add3A_431, %mul3A_1068 : i32
          %swap3A_1070 = arith.constant 0 : i32
          %swap3A_1071 = arith.constant 2 : i32
          %swap3A_1072 = arith.constant 0 : i32
          %swap3A_1073 = arith.constant 7 : i32
          %swap3A_1074 = arith.constant 0 : i32
          %swap3A_1075 = arith.constant 0 : i32
          %swap3A_1076 = arith.constant 0 : i32
          %swap3A_1077 = arith.constant 0 : i32
          %swap3A_1078 = arith.constant 0 : i32
          %swap3A_1079 = tpu.memref_slice %run_scoped3A_8[%rem3A_330, %swap3A_1074, %swap3A_1075, %swap3A_1076, %swap3A_1077, %swap3A_1078] : memref<2x1x8x1x8x128xf32, #tpu.memory_space<vmem>> -> memref<1x1x8x1x8x128xf32, #tpu.memory_space<vmem>>
          %swap3A_1080 = tpu.memref_squeeze %swap3A_1079 : memref<1x1x8x1x8x128xf32, #tpu.memory_space<vmem>> -> memref<1x8x1x8x128xf32, #tpu.memory_space<vmem>>
          %swap3A_1081 = arith.index_cast %swap3A_1070 : i32 to index
          %swap3A_1082 = arith.index_cast %swap3A_1071 : i32 to index
          %swap3A_1083 = arith.index_cast %swap3A_1072 : i32 to index
          %swap3A_1084 = arith.index_cast %swap3A_1073 : i32 to index
          %swap3A_1085 = arith.index_cast %mul3A_1069 : i32 to index
          %swap3A_1086 = tpu.vector_load %swap3A_1080[%swap3A_1081, %swap3A_1082, %swap3A_1083, %swap3A_1084, %swap3A_1085] {strides = array<i32>} : memref<1x8x1x8x128xf32, #tpu.memory_space<vmem>>, vector<16xf32>,
          tpu.vector_store %swap3A_1080[%swap3A_1081, %swap3A_1082, %swap3A_1083, %swap3A_1084, %swap3A_1085], %gather3A_535 {strides = array<i32>} : memref<1x8x1x8x128xf32, #tpu.memory_space<vmem>>, vector<16xf32>,
          %mul3A_1087 = arith.constant 16 : i32
          %mul3A_1088 = arith.muli %add3A_431, %mul3A_1087 : i32
          %swap3A_1089 = arith.constant 0 : i32
          %swap3A_1090 = arith.constant 3 : i32
          %swap3A_1091 = arith.constant 0 : i32
          %swap3A_1092 = arith.constant 0 : i32
          %swap3A_1093 = arith.constant 0 : i32
          %swap3A_1094 = arith.constant 0 : i32
          %swap3A_1095 = arith.constant 0 : i32
          %swap3A_1096 = arith.constant 0 : i32
          %swap3A_1097 = arith.constant 0 : i32
          %swap3A_1098 = tpu.memref_slice %run_scoped3A_8[%rem3A_330, %swap3A_1093, %swap3A_1094, %swap3A_1095, %swap3A_1096, %swap3A_1097] : memref<2x1x8x1x8x128xf32, #tpu.memory_space<vmem>> -> memref<1x1x8x1x8x128xf32, #tpu.memory_space<vmem>>
          %swap3A_1099 = tpu.memref_squeeze %swap3A_1098 : memref<1x1x8x1x8x128xf32, #tpu.memory_space<vmem>> -> memref<1x8x1x8x128xf32, #tpu.memory_space<vmem>>
          %swap3A_1100 = arith.index_cast %swap3A_1089 : i32 to index
          %swap3A_1101 = arith.index_cast %swap3A_1090 : i32 to index
          %swap3A_1102 = arith.index_cast %swap3A_1091 : i32 to index
          %swap3A_1103 = arith.index_cast %swap3A_1092 : i32 to index
          %swap3A_1104 = arith.index_cast %mul3A_1088 : i32 to index
          %swap3A_1105 = tpu.vector_load %swap3A_1099[%swap3A_1100, %swap3A_1101, %swap3A_1102, %swap3A_1103, %swap3A_1104] {strides = array<i32>} : memref<1x8x1x8x128xf32, #tpu.memory_space<vmem>>, vector<16xf32>,
          tpu.vector_store %swap3A_1099[%swap3A_1100, %swap3A_1101, %swap3A_1102, %swap3A_1103, %swap3A_1104], %gather3A_539 {strides = array<i32>} : memref<1x8x1x8x128xf32, #tpu.memory_space<vmem>>, vector<16xf32>,
          %mul3A_1106 = arith.constant 16 : i32
          %mul3A_1107 = arith.muli %add3A_431, %mul3A_1106 : i32
          %swap3A_1108 = arith.constant 0 : i32
          %swap3A_1109 = arith.constant 3 : i32
          %swap3A_1110 = arith.constant 0 : i32
          %swap3A_1111 = arith.constant 1 : i32
          %swap3A_1112 = arith.constant 0 : i32
          %swap3A_1113 = arith.constant 0 : i32
          %swap3A_1114 = arith.constant 0 : i32
          %swap3A_1115 = arith.constant 0 : i32
          %swap3A_1116 = arith.constant 0 : i32
          %swap3A_1117 = tpu.memref_slice %run_scoped3A_8[%rem3A_330, %swap3A_1112, %swap3A_1113, %swap3A_1114, %swap3A_1115, %swap3A_1116] : memref<2x1x8x1x8x128xf32, #tpu.memory_space<vmem>> -> memref<1x1x8x1x8x128xf32, #tpu.memory_space<vmem>>
          %swap3A_1118 = tpu.memref_squeeze %swap3A_1117 : memref<1x1x8x1x8x128xf32, #tpu.memory_space<vmem>> -> memref<1x8x1x8x128xf32, #tpu.memory_space<vmem>>
          %swap3A_1119 = arith.index_cast %swap3A_1108 : i32 to index
          %swap3A_1120 = arith.index_cast %swap3A_1109 : i32 to index
          %swap3A_1121 = arith.index_cast %swap3A_1110 : i32 to index
          %swap3A_1122 = arith.index_cast %swap3A_1111 : i32 to index
          %swap3A_1123 = arith.index_cast %mul3A_1107 : i32 to index
          %swap3A_1124 = tpu.vector_load %swap3A_1118[%swap3A_1119, %swap3A_1120, %swap3A_1121, %swap3A_1122, %swap3A_1123] {strides = array<i32>} : memref<1x8x1x8x128xf32, #tpu.memory_space<vmem>>, vector<16xf32>,
          tpu.vector_store %swap3A_1118[%swap3A_1119, %swap3A_1120, %swap3A_1121, %swap3A_1122, %swap3A_1123], %gather3A_543 {strides = array<i32>} : memref<1x8x1x8x128xf32, #tpu.memory_space<vmem>>, vector<16xf32>,
          %mul3A_1125 = arith.constant 16 : i32
          %mul3A_1126 = arith.muli %add3A_431, %mul3A_1125 : i32
          %swap3A_1127 = arith.constant 0 : i32
          %swap3A_1128 = arith.constant 3 : i32
          %swap3A_1129 = arith.constant 0 : i32
          %swap3A_1130 = arith.constant 2 : i32
          %swap3A_1131 = arith.constant 0 : i32
          %swap3A_1132 = arith.constant 0 : i32
          %swap3A_1133 = arith.constant 0 : i32
          %swap3A_1134 = arith.constant 0 : i32
          %swap3A_1135 = arith.constant 0 : i32
          %swap3A_1136 = tpu.memref_slice %run_scoped3A_8[%rem3A_330, %swap3A_1131, %swap3A_1132, %swap3A_1133, %swap3A_1134, %swap3A_1135] : memref<2x1x8x1x8x128xf32, #tpu.memory_space<vmem>> -> memref<1x1x8x1x8x128xf32, #tpu.memory_space<vmem>>
          %swap3A_1137 = tpu.memref_squeeze %swap3A_1136 : memref<1x1x8x1x8x128xf32, #tpu.memory_space<vmem>> -> memref<1x8x1x8x128xf32, #tpu.memory_space<vmem>>
          %swap3A_1138 = arith.index_cast %swap3A_1127 : i32 to index
          %swap3A_1139 = arith.index_cast %swap3A_1128 : i32 to index
          %swap3A_1140 = arith.index_cast %swap3A_1129 : i32 to index
          %swap3A_1141 = arith.index_cast %swap3A_1130 : i32 to index
          %swap3A_1142 = arith.index_cast %mul3A_1126 : i32 to index
          %swap3A_1143 = tpu.vector_load %swap3A_1137[%swap3A_1138, %swap3A_1139, %swap3A_1140, %swap3A_1141, %swap3A_1142] {strides = array<i32>} : memref<1x8x1x8x128xf32, #tpu.memory_space<vmem>>, vector<16xf32>,
          tpu.vector_store %swap3A_1137[%swap3A_1138, %swap3A_1139, %swap3A_1140, %swap3A_1141, %swap3A_1142], %gather3A_547 {strides = array<i32>} : memref<1x8x1x8x128xf32, #tpu.memory_space<vmem>>, vector<16xf32>,
          %mul3A_1144 = arith.constant 16 : i32
          %mul3A_1145 = arith.muli %add3A_431, %mul3A_1144 : i32
          %swap3A_1146 = arith.constant 0 : i32
          %swap3A_1147 = arith.constant 3 : i32
          %swap3A_1148 = arith.constant 0 : i32
          %swap3A_1149 = arith.constant 3 : i32
          %swap3A_1150 = arith.constant 0 : i32
          %swap3A_1151 = arith.constant 0 : i32
          %swap3A_1152 = arith.constant 0 : i32
          %swap3A_1153 = arith.constant 0 : i32
          %swap3A_1154 = arith.constant 0 : i32
          %swap3A_1155 = tpu.memref_slice %run_scoped3A_8[%rem3A_330, %swap3A_1150, %swap3A_1151, %swap3A_1152, %swap3A_1153, %swap3A_1154] : memref<2x1x8x1x8x128xf32, #tpu.memory_space<vmem>> -> memref<1x1x8x1x8x128xf32, #tpu.memory_space<vmem>>
          %swap3A_1156 = tpu.memref_squeeze %swap3A_1155 : memref<1x1x8x1x8x128xf32, #tpu.memory_space<vmem>> -> memref<1x8x1x8x128xf32, #tpu.memory_space<vmem>>
          %swap3A_1157 = arith.index_cast %swap3A_1146 : i32 to index
          %swap3A_1158 = arith.index_cast %swap3A_1147 : i32 to index
          %swap3A_1159 = arith.index_cast %swap3A_1148 : i32 to index
          %swap3A_1160 = arith.index_cast %swap3A_1149 : i32 to index
          %swap3A_1161 = arith.index_cast %mul3A_1145 : i32 to index
          %swap3A_1162 = tpu.vector_load %swap3A_1156[%swap3A_1157, %swap3A_1158, %swap3A_1159, %swap3A_1160, %swap3A_1161] {strides = array<i32>} : memref<1x8x1x8x128xf32, #tpu.memory_space<vmem>>, vector<16xf32>,
          tpu.vector_store %swap3A_1156[%swap3A_1157, %swap3A_1158, %swap3A_1159, %swap3A_1160, %swap3A_1161], %gather3A_551 {strides = array<i32>} : memref<1x8x1x8x128xf32, #tpu.memory_space<vmem>>, vector<16xf32>,
          %mul3A_1163 = arith.constant 16 : i32
          %mul3A_1164 = arith.muli %add3A_431, %mul3A_1163 : i32
          %swap3A_1165 = arith.constant 0 : i32
          %swap3A_1166 = arith.constant 3 : i32
          %swap3A_1167 = arith.constant 0 : i32
          %swap3A_1168 = arith.constant 4 : i32
          %swap3A_1169 = arith.constant 0 : i32
          %swap3A_1170 = arith.constant 0 : i32
          %swap3A_1171 = arith.constant 0 : i32
          %swap3A_1172 = arith.constant 0 : i32
          %swap3A_1173 = arith.constant 0 : i32
          %swap3A_1174 = tpu.memref_slice %run_scoped3A_8[%rem3A_330, %swap3A_1169, %swap3A_1170, %swap3A_1171, %swap3A_1172, %swap3A_1173] : memref<2x1x8x1x8x128xf32, #tpu.memory_space<vmem>> -> memref<1x1x8x1x8x128xf32, #tpu.memory_space<vmem>>
          %swap3A_1175 = tpu.memref_squeeze %swap3A_1174 : memref<1x1x8x1x8x128xf32, #tpu.memory_space<vmem>> -> memref<1x8x1x8x128xf32, #tpu.memory_space<vmem>>
          %swap3A_1176 = arith.index_cast %swap3A_1165 : i32 to index
          %swap3A_1177 = arith.index_cast %swap3A_1166 : i32 to index
          %swap3A_1178 = arith.index_cast %swap3A_1167 : i32 to index
          %swap3A_1179 = arith.index_cast %swap3A_1168 : i32 to index
          %swap3A_1180 = arith.index_cast %mul3A_1164 : i32 to index
          %swap3A_1181 = tpu.vector_load %swap3A_1175[%swap3A_1176, %swap3A_1177, %swap3A_1178, %swap3A_1179, %swap3A_1180] {strides = array<i32>} : memref<1x8x1x8x128xf32, #tpu.memory_space<vmem>>, vector<16xf32>,
          tpu.vector_store %swap3A_1175[%swap3A_1176, %swap3A_1177, %swap3A_1178, %swap3A_1179, %swap3A_1180], %gather3A_555 {strides = array<i32>} : memref<1x8x1x8x128xf32, #tpu.memory_space<vmem>>, vector<16xf32>,
          %mul3A_1182 = arith.constant 16 : i32
          %mul3A_1183 = arith.muli %add3A_431, %mul3A_1182 : i32
          %swap3A_1184 = arith.constant 0 : i32
          %swap3A_1185 = arith.constant 3 : i32
          %swap3A_1186 = arith.constant 0 : i32
          %swap3A_1187 = arith.constant 5 : i32
          %swap3A_1188 = arith.constant 0 : i32
          %swap3A_1189 = arith.constant 0 : i32
          %swap3A_1190 = arith.constant 0 : i32
          %swap3A_1191 = arith.constant 0 : i32
          %swap3A_1192 = arith.constant 0 : i32
          %swap3A_1193 = tpu.memref_slice %run_scoped3A_8[%rem3A_330, %swap3A_1188, %swap3A_1189, %swap3A_1190, %swap3A_1191, %swap3A_1192] : memref<2x1x8x1x8x128xf32, #tpu.memory_space<vmem>> -> memref<1x1x8x1x8x128xf32, #tpu.memory_space<vmem>>
          %swap3A_1194 = tpu.memref_squeeze %swap3A_1193 : memref<1x1x8x1x8x128xf32, #tpu.memory_space<vmem>> -> memref<1x8x1x8x128xf32, #tpu.memory_space<vmem>>
          %swap3A_1195 = arith.index_cast %swap3A_1184 : i32 to index
          %swap3A_1196 = arith.index_cast %swap3A_1185 : i32 to index
          %swap3A_1197 = arith.index_cast %swap3A_1186 : i32 to index
          %swap3A_1198 = arith.index_cast %swap3A_1187 : i32 to index
          %swap3A_1199 = arith.index_cast %mul3A_1183 : i32 to index
          %swap3A_1200 = tpu.vector_load %swap3A_1194[%swap3A_1195, %swap3A_1196, %swap3A_1197, %swap3A_1198, %swap3A_1199] {strides = array<i32>} : memref<1x8x1x8x128xf32, #tpu.memory_space<vmem>>, vector<16xf32>,
          tpu.vector_store %swap3A_1194[%swap3A_1195, %swap3A_1196, %swap3A_1197, %swap3A_1198, %swap3A_1199], %gather3A_559 {strides = array<i32>} : memref<1x8x1x8x128xf32, #tpu.memory_space<vmem>>, vector<16xf32>,
          %mul3A_1201 = arith.constant 16 : i32
          %mul3A_1202 = arith.muli %add3A_431, %mul3A_1201 : i32
          %swap3A_1203 = arith.constant 0 : i32
          %swap3A_1204 = arith.constant 3 : i32
          %swap3A_1205 = arith.constant 0 : i32
          %swap3A_1206 = arith.constant 6 : i32
          %swap3A_1207 = arith.constant 0 : i32
          %swap3A_1208 = arith.constant 0 : i32
          %swap3A_1209 = arith.constant 0 : i32
          %swap3A_1210 = arith.constant 0 : i32
          %swap3A_1211 = arith.constant 0 : i32
          %swap3A_1212 = tpu.memref_slice %run_scoped3A_8[%rem3A_330, %swap3A_1207, %swap3A_1208, %swap3A_1209, %swap3A_1210, %swap3A_1211] : memref<2x1x8x1x8x128xf32, #tpu.memory_space<vmem>> -> memref<1x1x8x1x8x128xf32, #tpu.memory_space<vmem>>
          %swap3A_1213 = tpu.memref_squeeze %swap3A_1212 : memref<1x1x8x1x8x128xf32, #tpu.memory_space<vmem>> -> memref<1x8x1x8x128xf32, #tpu.memory_space<vmem>>
          %swap3A_1214 = arith.index_cast %swap3A_1203 : i32 to index
          %swap3A_1215 = arith.index_cast %swap3A_1204 : i32 to index
          %swap3A_1216 = arith.index_cast %swap3A_1205 : i32 to index
          %swap3A_1217 = arith.index_cast %swap3A_1206 : i32 to index
          %swap3A_1218 = arith.index_cast %mul3A_1202 : i32 to index
          %swap3A_1219 = tpu.vector_load %swap3A_1213[%swap3A_1214, %swap3A_1215, %swap3A_1216, %swap3A_1217, %swap3A_1218] {strides = array<i32>} : memref<1x8x1x8x128xf32, #tpu.memory_space<vmem>>, vector<16xf32>,
          tpu.vector_store %swap3A_1213[%swap3A_1214, %swap3A_1215, %swap3A_1216, %swap3A_1217, %swap3A_1218], %gather3A_563 {strides = array<i32>} : memref<1x8x1x8x128xf32, #tpu.memory_space<vmem>>, vector<16xf32>,
          %mul3A_1220 = arith.constant 16 : i32
          %mul3A_1221 = arith.muli %add3A_431, %mul3A_1220 : i32
          %swap3A_1222 = arith.constant 0 : i32
          %swap3A_1223 = arith.constant 3 : i32
          %swap3A_1224 = arith.constant 0 : i32
          %swap3A_1225 = arith.constant 7 : i32
          %swap3A_1226 = arith.constant 0 : i32
          %swap3A_1227 = arith.constant 0 : i32
          %swap3A_1228 = arith.constant 0 : i32
          %swap3A_1229 = arith.constant 0 : i32
          %swap3A_1230 = arith.constant 0 : i32
          %swap3A_1231 = tpu.memref_slice %run_scoped3A_8[%rem3A_330, %swap3A_1226, %swap3A_1227, %swap3A_1228, %swap3A_1229, %swap3A_1230] : memref<2x1x8x1x8x128xf32, #tpu.memory_space<vmem>> -> memref<1x1x8x1x8x128xf32, #tpu.memory_space<vmem>>
          %swap3A_1232 = tpu.memref_squeeze %swap3A_1231 : memref<1x1x8x1x8x128xf32, #tpu.memory_space<vmem>> -> memref<1x8x1x8x128xf32, #tpu.memory_space<vmem>>
          %swap3A_1233 = arith.index_cast %swap3A_1222 : i32 to index
          %swap3A_1234 = arith.index_cast %swap3A_1223 : i32 to index
          %swap3A_1235 = arith.index_cast %swap3A_1224 : i32 to index
          %swap3A_1236 = arith.index_cast %swap3A_1225 : i32 to index
          %swap3A_1237 = arith.index_cast %mul3A_1221 : i32 to index
          %swap3A_1238 = tpu.vector_load %swap3A_1232[%swap3A_1233, %swap3A_1234, %swap3A_1235, %swap3A_1236, %swap3A_1237] {strides = array<i32>} : memref<1x8x1x8x128xf32, #tpu.memory_space<vmem>>, vector<16xf32>,
          tpu.vector_store %swap3A_1232[%swap3A_1233, %swap3A_1234, %swap3A_1235, %swap3A_1236, %swap3A_1237], %gather3A_567 {strides = array<i32>} : memref<1x8x1x8x128xf32, #tpu.memory_space<vmem>>, vector<16xf32>,
          %add3A_1239 = arith.constant 8064 : i32
          %add3A_1240 = vector.broadcast %add3A_1239 : i32 to vector<16xi32>
          %add3A_1241 = arith.addi %get3A_440, %add3A_1240 : vector<16xi32>
          %gather3A_1242 = tpu.vector_load_idx %arg5[%add3A_1241] : memref<10752xf32, #tpu.memory_space<vmem>>[vector<16xi32>], vector<16xf32>,
          %add3A_1243 = arith.constant 8232 : i32
          %add3A_1244 = vector.broadcast %add3A_1243 : i32 to vector<16xi32>
          %add3A_1245 = arith.addi %get3A_440, %add3A_1244 : vector<16xi32>
          %gather3A_1246 = tpu.vector_load_idx %arg5[%add3A_1245] : memref<10752xf32, #tpu.memory_space<vmem>>[vector<16xi32>], vector<16xf32>,
          %add3A_1247 = arith.constant 8400 : i32
          %add3A_1248 = vector.broadcast %add3A_1247 : i32 to vector<16xi32>
          %add3A_1249 = arith.addi %get3A_440, %add3A_1248 : vector<16xi32>
          %gather3A_1250 = tpu.vector_load_idx %arg5[%add3A_1249] : memref<10752xf32, #tpu.memory_space<vmem>>[vector<16xi32>], vector<16xf32>,
          %add3A_1251 = arith.constant 8568 : i32
          %add3A_1252 = vector.broadcast %add3A_1251 : i32 to vector<16xi32>
          %add3A_1253 = arith.addi %get3A_440, %add3A_1252 : vector<16xi32>
          %gather3A_1254 = tpu.vector_load_idx %arg5[%add3A_1253] : memref<10752xf32, #tpu.memory_space<vmem>>[vector<16xi32>], vector<16xf32>,
          %add3A_1255 = arith.constant 8736 : i32
          %add3A_1256 = vector.broadcast %add3A_1255 : i32 to vector<16xi32>
          %add3A_1257 = arith.addi %get3A_440, %add3A_1256 : vector<16xi32>
          %gather3A_1258 = tpu.vector_load_idx %arg5[%add3A_1257] : memref<10752xf32, #tpu.memory_space<vmem>>[vector<16xi32>], vector<16xf32>,
          %add3A_1259 = arith.constant 8904 : i32
          %add3A_1260 = vector.broadcast %add3A_1259 : i32 to vector<16xi32>
          %add3A_1261 = arith.addi %get3A_440, %add3A_1260 : vector<16xi32>
          %gather3A_1262 = tpu.vector_load_idx %arg5[%add3A_1261] : memref<10752xf32, #tpu.memory_space<vmem>>[vector<16xi32>], vector<16xf32>,
          %add3A_1263 = arith.constant 9072 : i32
          %add3A_1264 = vector.broadcast %add3A_1263 : i32 to vector<16xi32>
          %add3A_1265 = arith.addi %get3A_440, %add3A_1264 : vector<16xi32>
          %gather3A_1266 = tpu.vector_load_idx %arg5[%add3A_1265] : memref<10752xf32, #tpu.memory_space<vmem>>[vector<16xi32>], vector<16xf32>,
          %add3A_1267 = arith.constant 9240 : i32
          %add3A_1268 = vector.broadcast %add3A_1267 : i32 to vector<16xi32>
          %add3A_1269 = arith.addi %get3A_440, %add3A_1268 : vector<16xi32>
          %gather3A_1270 = tpu.vector_load_idx %arg5[%add3A_1269] : memref<10752xf32, #tpu.memory_space<vmem>>[vector<16xi32>], vector<16xf32>,
          %add3A_1271 = arith.constant 9408 : i32
          %add3A_1272 = vector.broadcast %add3A_1271 : i32 to vector<16xi32>
          %add3A_1273 = arith.addi %get3A_440, %add3A_1272 : vector<16xi32>
          %gather3A_1274 = tpu.vector_load_idx %arg5[%add3A_1273] : memref<10752xf32, #tpu.memory_space<vmem>>[vector<16xi32>], vector<16xf32>,
          %add3A_1275 = arith.constant 9576 : i32
          %add3A_1276 = vector.broadcast %add3A_1275 : i32 to vector<16xi32>
          %add3A_1277 = arith.addi %get3A_440, %add3A_1276 : vector<16xi32>
          %gather3A_1278 = tpu.vector_load_idx %arg5[%add3A_1277] : memref<10752xf32, #tpu.memory_space<vmem>>[vector<16xi32>], vector<16xf32>,
          %add3A_1279 = arith.constant 9744 : i32
          %add3A_1280 = vector.broadcast %add3A_1279 : i32 to vector<16xi32>
          %add3A_1281 = arith.addi %get3A_440, %add3A_1280 : vector<16xi32>
          %gather3A_1282 = tpu.vector_load_idx %arg5[%add3A_1281] : memref<10752xf32, #tpu.memory_space<vmem>>[vector<16xi32>], vector<16xf32>,
          %add3A_1283 = arith.constant 9912 : i32
          %add3A_1284 = vector.broadcast %add3A_1283 : i32 to vector<16xi32>
          %add3A_1285 = arith.addi %get3A_440, %add3A_1284 : vector<16xi32>
          %gather3A_1286 = tpu.vector_load_idx %arg5[%add3A_1285] : memref<10752xf32, #tpu.memory_space<vmem>>[vector<16xi32>], vector<16xf32>,
          %add3A_1287 = arith.constant 10080 : i32
          %add3A_1288 = vector.broadcast %add3A_1287 : i32 to vector<16xi32>
          %add3A_1289 = arith.addi %get3A_440, %add3A_1288 : vector<16xi32>
          %gather3A_1290 = tpu.vector_load_idx %arg5[%add3A_1289] : memref<10752xf32, #tpu.memory_space<vmem>>[vector<16xi32>], vector<16xf32>,
          %add3A_1291 = arith.constant 10248 : i32
          %add3A_1292 = vector.broadcast %add3A_1291 : i32 to vector<16xi32>
          %add3A_1293 = arith.addi %get3A_440, %add3A_1292 : vector<16xi32>
          %gather3A_1294 = tpu.vector_load_idx %arg5[%add3A_1293] : memref<10752xf32, #tpu.memory_space<vmem>>[vector<16xi32>], vector<16xf32>,
          %add3A_1295 = arith.constant 10416 : i32
          %add3A_1296 = vector.broadcast %add3A_1295 : i32 to vector<16xi32>
          %add3A_1297 = arith.addi %get3A_440, %add3A_1296 : vector<16xi32>
          %gather3A_1298 = tpu.vector_load_idx %arg5[%add3A_1297] : memref<10752xf32, #tpu.memory_space<vmem>>[vector<16xi32>], vector<16xf32>,
          %add3A_1299 = arith.constant 10584 : i32
          %add3A_1300 = vector.broadcast %add3A_1299 : i32 to vector<16xi32>
          %add3A_1301 = arith.addi %get3A_440, %add3A_1300 : vector<16xi32>
          %gather3A_1302 = tpu.vector_load_idx %arg5[%add3A_1301] : memref<10752xf32, #tpu.memory_space<vmem>>[vector<16xi32>], vector<16xf32>,
          %mul3A_1303 = arith.constant 16 : i32
          %mul3A_1304 = arith.muli %add3A_431, %mul3A_1303 : i32
          %swap3A_1305 = arith.constant 0 : i32
          %swap3A_1306 = arith.constant 4 : i32
          %swap3A_1307 = arith.constant 0 : i32
          %swap3A_1308 = arith.constant 0 : i32
          %swap3A_1309 = arith.constant 0 : i32
          %swap3A_1310 = arith.constant 0 : i32
          %swap3A_1311 = arith.constant 0 : i32
          %swap3A_1312 = arith.constant 0 : i32
          %swap3A_1313 = arith.constant 0 : i32
          %swap3A_1314 = tpu.memref_slice %run_scoped3A_8[%rem3A_330, %swap3A_1309, %swap3A_1310, %swap3A_1311, %swap3A_1312, %swap3A_1313] : memref<2x1x8x1x8x128xf32, #tpu.memory_space<vmem>> -> memref<1x1x8x1x8x128xf32, #tpu.memory_space<vmem>>
          %swap3A_1315 = tpu.memref_squeeze %swap3A_1314 : memref<1x1x8x1x8x128xf32, #tpu.memory_space<vmem>> -> memref<1x8x1x8x128xf32, #tpu.memory_space<vmem>>
          %swap3A_1316 = arith.index_cast %swap3A_1305 : i32 to index
          %swap3A_1317 = arith.index_cast %swap3A_1306 : i32 to index
          %swap3A_1318 = arith.index_cast %swap3A_1307 : i32 to index
          %swap3A_1319 = arith.index_cast %swap3A_1308 : i32 to index
          %swap3A_1320 = arith.index_cast %mul3A_1304 : i32 to index
          %swap3A_1321 = tpu.vector_load %swap3A_1315[%swap3A_1316, %swap3A_1317, %swap3A_1318, %swap3A_1319, %swap3A_1320] {strides = array<i32>} : memref<1x8x1x8x128xf32, #tpu.memory_space<vmem>>, vector<16xf32>,
          tpu.vector_store %swap3A_1315[%swap3A_1316, %swap3A_1317, %swap3A_1318, %swap3A_1319, %swap3A_1320], %gather3A_874 {strides = array<i32>} : memref<1x8x1x8x128xf32, #tpu.memory_space<vmem>>, vector<16xf32>,
          %mul3A_1322 = arith.constant 16 : i32
          %mul3A_1323 = arith.muli %add3A_431, %mul3A_1322 : i32
          %swap3A_1324 = arith.constant 0 : i32
          %swap3A_1325 = arith.constant 4 : i32
          %swap3A_1326 = arith.constant 0 : i32
          %swap3A_1327 = arith.constant 1 : i32
          %swap3A_1328 = arith.constant 0 : i32
          %swap3A_1329 = arith.constant 0 : i32
          %swap3A_1330 = arith.constant 0 : i32
          %swap3A_1331 = arith.constant 0 : i32
          %swap3A_1332 = arith.constant 0 : i32
          %swap3A_1333 = tpu.memref_slice %run_scoped3A_8[%rem3A_330, %swap3A_1328, %swap3A_1329, %swap3A_1330, %swap3A_1331, %swap3A_1332] : memref<2x1x8x1x8x128xf32, #tpu.memory_space<vmem>> -> memref<1x1x8x1x8x128xf32, #tpu.memory_space<vmem>>
          %swap3A_1334 = tpu.memref_squeeze %swap3A_1333 : memref<1x1x8x1x8x128xf32, #tpu.memory_space<vmem>> -> memref<1x8x1x8x128xf32, #tpu.memory_space<vmem>>
          %swap3A_1335 = arith.index_cast %swap3A_1324 : i32 to index
          %swap3A_1336 = arith.index_cast %swap3A_1325 : i32 to index
          %swap3A_1337 = arith.index_cast %swap3A_1326 : i32 to index
          %swap3A_1338 = arith.index_cast %swap3A_1327 : i32 to index
          %swap3A_1339 = arith.index_cast %mul3A_1323 : i32 to index
          %swap3A_1340 = tpu.vector_load %swap3A_1334[%swap3A_1335, %swap3A_1336, %swap3A_1337, %swap3A_1338, %swap3A_1339] {strides = array<i32>} : memref<1x8x1x8x128xf32, #tpu.memory_space<vmem>>, vector<16xf32>,
          tpu.vector_store %swap3A_1334[%swap3A_1335, %swap3A_1336, %swap3A_1337, %swap3A_1338, %swap3A_1339], %gather3A_878 {strides = array<i32>} : memref<1x8x1x8x128xf32, #tpu.memory_space<vmem>>, vector<16xf32>,
          %mul3A_1341 = arith.constant 16 : i32
          %mul3A_1342 = arith.muli %add3A_431, %mul3A_1341 : i32
          %swap3A_1343 = arith.constant 0 : i32
          %swap3A_1344 = arith.constant 4 : i32
          %swap3A_1345 = arith.constant 0 : i32
          %swap3A_1346 = arith.constant 2 : i32
          %swap3A_1347 = arith.constant 0 : i32
          %swap3A_1348 = arith.constant 0 : i32
          %swap3A_1349 = arith.constant 0 : i32
          %swap3A_1350 = arith.constant 0 : i32
          %swap3A_1351 = arith.constant 0 : i32
          %swap3A_1352 = tpu.memref_slice %run_scoped3A_8[%rem3A_330, %swap3A_1347, %swap3A_1348, %swap3A_1349, %swap3A_1350, %swap3A_1351] : memref<2x1x8x1x8x128xf32, #tpu.memory_space<vmem>> -> memref<1x1x8x1x8x128xf32, #tpu.memory_space<vmem>>
          %swap3A_1353 = tpu.memref_squeeze %swap3A_1352 : memref<1x1x8x1x8x128xf32, #tpu.memory_space<vmem>> -> memref<1x8x1x8x128xf32, #tpu.memory_space<vmem>>
          %swap3A_1354 = arith.index_cast %swap3A_1343 : i32 to index
          %swap3A_1355 = arith.index_cast %swap3A_1344 : i32 to index
          %swap3A_1356 = arith.index_cast %swap3A_1345 : i32 to index
          %swap3A_1357 = arith.index_cast %swap3A_1346 : i32 to index
          %swap3A_1358 = arith.index_cast %mul3A_1342 : i32 to index
          %swap3A_1359 = tpu.vector_load %swap3A_1353[%swap3A_1354, %swap3A_1355, %swap3A_1356, %swap3A_1357, %swap3A_1358] {strides = array<i32>} : memref<1x8x1x8x128xf32, #tpu.memory_space<vmem>>, vector<16xf32>,
          tpu.vector_store %swap3A_1353[%swap3A_1354, %swap3A_1355, %swap3A_1356, %swap3A_1357, %swap3A_1358], %gather3A_882 {strides = array<i32>} : memref<1x8x1x8x128xf32, #tpu.memory_space<vmem>>, vector<16xf32>,
          %mul3A_1360 = arith.constant 16 : i32
          %mul3A_1361 = arith.muli %add3A_431, %mul3A_1360 : i32
          %swap3A_1362 = arith.constant 0 : i32
          %swap3A_1363 = arith.constant 4 : i32
          %swap3A_1364 = arith.constant 0 : i32
          %swap3A_1365 = arith.constant 3 : i32
          %swap3A_1366 = arith.constant 0 : i32
          %swap3A_1367 = arith.constant 0 : i32
          %swap3A_1368 = arith.constant 0 : i32
          %swap3A_1369 = arith.constant 0 : i32
          %swap3A_1370 = arith.constant 0 : i32
          %swap3A_1371 = tpu.memref_slice %run_scoped3A_8[%rem3A_330, %swap3A_1366, %swap3A_1367, %swap3A_1368, %swap3A_1369, %swap3A_1370] : memref<2x1x8x1x8x128xf32, #tpu.memory_space<vmem>> -> memref<1x1x8x1x8x128xf32, #tpu.memory_space<vmem>>
          %swap3A_1372 = tpu.memref_squeeze %swap3A_1371 : memref<1x1x8x1x8x128xf32, #tpu.memory_space<vmem>> -> memref<1x8x1x8x128xf32, #tpu.memory_space<vmem>>
          %swap3A_1373 = arith.index_cast %swap3A_1362 : i32 to index
          %swap3A_1374 = arith.index_cast %swap3A_1363 : i32 to index
          %swap3A_1375 = arith.index_cast %swap3A_1364 : i32 to index
          %swap3A_1376 = arith.index_cast %swap3A_1365 : i32 to index
          %swap3A_1377 = arith.index_cast %mul3A_1361 : i32 to index
          %swap3A_1378 = tpu.vector_load %swap3A_1372[%swap3A_1373, %swap3A_1374, %swap3A_1375, %swap3A_1376, %swap3A_1377] {strides = array<i32>} : memref<1x8x1x8x128xf32, #tpu.memory_space<vmem>>, vector<16xf32>,
          tpu.vector_store %swap3A_1372[%swap3A_1373, %swap3A_1374, %swap3A_1375, %swap3A_1376, %swap3A_1377], %gather3A_886 {strides = array<i32>} : memref<1x8x1x8x128xf32, #tpu.memory_space<vmem>>, vector<16xf32>,
          %mul3A_1379 = arith.constant 16 : i32
          %mul3A_1380 = arith.muli %add3A_431, %mul3A_1379 : i32
          %swap3A_1381 = arith.constant 0 : i32
          %swap3A_1382 = arith.constant 4 : i32
          %swap3A_1383 = arith.constant 0 : i32
          %swap3A_1384 = arith.constant 4 : i32
          %swap3A_1385 = arith.constant 0 : i32
          %swap3A_1386 = arith.constant 0 : i32
          %swap3A_1387 = arith.constant 0 : i32
          %swap3A_1388 = arith.constant 0 : i32
          %swap3A_1389 = arith.constant 0 : i32
          %swap3A_1390 = tpu.memref_slice %run_scoped3A_8[%rem3A_330, %swap3A_1385, %swap3A_1386, %swap3A_1387, %swap3A_1388, %swap3A_1389] : memref<2x1x8x1x8x128xf32, #tpu.memory_space<vmem>> -> memref<1x1x8x1x8x128xf32, #tpu.memory_space<vmem>>
          %swap3A_1391 = tpu.memref_squeeze %swap3A_1390 : memref<1x1x8x1x8x128xf32, #tpu.memory_space<vmem>> -> memref<1x8x1x8x128xf32, #tpu.memory_space<vmem>>
          %swap3A_1392 = arith.index_cast %swap3A_1381 : i32 to index
          %swap3A_1393 = arith.index_cast %swap3A_1382 : i32 to index
          %swap3A_1394 = arith.index_cast %swap3A_1383 : i32 to index
          %swap3A_1395 = arith.index_cast %swap3A_1384 : i32 to index
          %swap3A_1396 = arith.index_cast %mul3A_1380 : i32 to index
          %swap3A_1397 = tpu.vector_load %swap3A_1391[%swap3A_1392, %swap3A_1393, %swap3A_1394, %swap3A_1395, %swap3A_1396] {strides = array<i32>} : memref<1x8x1x8x128xf32, #tpu.memory_space<vmem>>, vector<16xf32>,
          tpu.vector_store %swap3A_1391[%swap3A_1392, %swap3A_1393, %swap3A_1394, %swap3A_1395, %swap3A_1396], %gather3A_890 {strides = array<i32>} : memref<1x8x1x8x128xf32, #tpu.memory_space<vmem>>, vector<16xf32>,
          %mul3A_1398 = arith.constant 16 : i32
          %mul3A_1399 = arith.muli %add3A_431, %mul3A_1398 : i32
          %swap3A_1400 = arith.constant 0 : i32
          %swap3A_1401 = arith.constant 4 : i32
          %swap3A_1402 = arith.constant 0 : i32
          %swap3A_1403 = arith.constant 5 : i32
          %swap3A_1404 = arith.constant 0 : i32
          %swap3A_1405 = arith.constant 0 : i32
          %swap3A_1406 = arith.constant 0 : i32
          %swap3A_1407 = arith.constant 0 : i32
          %swap3A_1408 = arith.constant 0 : i32
          %swap3A_1409 = tpu.memref_slice %run_scoped3A_8[%rem3A_330, %swap3A_1404, %swap3A_1405, %swap3A_1406, %swap3A_1407, %swap3A_1408] : memref<2x1x8x1x8x128xf32, #tpu.memory_space<vmem>> -> memref<1x1x8x1x8x128xf32, #tpu.memory_space<vmem>>
          %swap3A_1410 = tpu.memref_squeeze %swap3A_1409 : memref<1x1x8x1x8x128xf32, #tpu.memory_space<vmem>> -> memref<1x8x1x8x128xf32, #tpu.memory_space<vmem>>
          %swap3A_1411 = arith.index_cast %swap3A_1400 : i32 to index
          %swap3A_1412 = arith.index_cast %swap3A_1401 : i32 to index
          %swap3A_1413 = arith.index_cast %swap3A_1402 : i32 to index
          %swap3A_1414 = arith.index_cast %swap3A_1403 : i32 to index
          %swap3A_1415 = arith.index_cast %mul3A_1399 : i32 to index
          %swap3A_1416 = tpu.vector_load %swap3A_1410[%swap3A_1411, %swap3A_1412, %swap3A_1413, %swap3A_1414, %swap3A_1415] {strides = array<i32>} : memref<1x8x1x8x128xf32, #tpu.memory_space<vmem>>, vector<16xf32>,
          tpu.vector_store %swap3A_1410[%swap3A_1411, %swap3A_1412, %swap3A_1413, %swap3A_1414, %swap3A_1415], %gather3A_894 {strides = array<i32>} : memref<1x8x1x8x128xf32, #tpu.memory_space<vmem>>, vector<16xf32>,
          %mul3A_1417 = arith.constant 16 : i32
          %mul3A_1418 = arith.muli %add3A_431, %mul3A_1417 : i32
          %swap3A_1419 = arith.constant 0 : i32
          %swap3A_1420 = arith.constant 4 : i32
          %swap3A_1421 = arith.constant 0 : i32
          %swap3A_1422 = arith.constant 6 : i32
          %swap3A_1423 = arith.constant 0 : i32
          %swap3A_1424 = arith.constant 0 : i32
          %swap3A_1425 = arith.constant 0 : i32
          %swap3A_1426 = arith.constant 0 : i32
          %swap3A_1427 = arith.constant 0 : i32
          %swap3A_1428 = tpu.memref_slice %run_scoped3A_8[%rem3A_330, %swap3A_1423, %swap3A_1424, %swap3A_1425, %swap3A_1426, %swap3A_1427] : memref<2x1x8x1x8x128xf32, #tpu.memory_space<vmem>> -> memref<1x1x8x1x8x128xf32, #tpu.memory_space<vmem>>
          %swap3A_1429 = tpu.memref_squeeze %swap3A_1428 : memref<1x1x8x1x8x128xf32, #tpu.memory_space<vmem>> -> memref<1x8x1x8x128xf32, #tpu.memory_space<vmem>>
          %swap3A_1430 = arith.index_cast %swap3A_1419 : i32 to index
          %swap3A_1431 = arith.index_cast %swap3A_1420 : i32 to index
          %swap3A_1432 = arith.index_cast %swap3A_1421 : i32 to index
          %swap3A_1433 = arith.index_cast %swap3A_1422 : i32 to index
          %swap3A_1434 = arith.index_cast %mul3A_1418 : i32 to index
          %swap3A_1435 = tpu.vector_load %swap3A_1429[%swap3A_1430, %swap3A_1431, %swap3A_1432, %swap3A_1433, %swap3A_1434] {strides = array<i32>} : memref<1x8x1x8x128xf32, #tpu.memory_space<vmem>>, vector<16xf32>,
          tpu.vector_store %swap3A_1429[%swap3A_1430, %swap3A_1431, %swap3A_1432, %swap3A_1433, %swap3A_1434], %gather3A_898 {strides = array<i32>} : memref<1x8x1x8x128xf32, #tpu.memory_space<vmem>>, vector<16xf32>,
          %mul3A_1436 = arith.constant 16 : i32
          %mul3A_1437 = arith.muli %add3A_431, %mul3A_1436 : i32
          %swap3A_1438 = arith.constant 0 : i32
          %swap3A_1439 = arith.constant 4 : i32
          %swap3A_1440 = arith.constant 0 : i32
          %swap3A_1441 = arith.constant 7 : i32
          %swap3A_1442 = arith.constant 0 : i32
          %swap3A_1443 = arith.constant 0 : i32
          %swap3A_1444 = arith.constant 0 : i32
          %swap3A_1445 = arith.constant 0 : i32
          %swap3A_1446 = arith.constant 0 : i32
          %swap3A_1447 = tpu.memref_slice %run_scoped3A_8[%rem3A_330, %swap3A_1442, %swap3A_1443, %swap3A_1444, %swap3A_1445, %swap3A_1446] : memref<2x1x8x1x8x128xf32, #tpu.memory_space<vmem>> -> memref<1x1x8x1x8x128xf32, #tpu.memory_space<vmem>>
          %swap3A_1448 = tpu.memref_squeeze %swap3A_1447 : memref<1x1x8x1x8x128xf32, #tpu.memory_space<vmem>> -> memref<1x8x1x8x128xf32, #tpu.memory_space<vmem>>
          %swap3A_1449 = arith.index_cast %swap3A_1438 : i32 to index
          %swap3A_1450 = arith.index_cast %swap3A_1439 : i32 to index
          %swap3A_1451 = arith.index_cast %swap3A_1440 : i32 to index
          %swap3A_1452 = arith.index_cast %swap3A_1441 : i32 to index
          %swap3A_1453 = arith.index_cast %mul3A_1437 : i32 to index
          %swap3A_1454 = tpu.vector_load %swap3A_1448[%swap3A_1449, %swap3A_1450, %swap3A_1451, %swap3A_1452, %swap3A_1453] {strides = array<i32>} : memref<1x8x1x8x128xf32, #tpu.memory_space<vmem>>, vector<16xf32>,
          tpu.vector_store %swap3A_1448[%swap3A_1449, %swap3A_1450, %swap3A_1451, %swap3A_1452, %swap3A_1453], %gather3A_902 {strides = array<i32>} : memref<1x8x1x8x128xf32, #tpu.memory_space<vmem>>, vector<16xf32>,
          %mul3A_1455 = arith.constant 16 : i32
          %mul3A_1456 = arith.muli %add3A_431, %mul3A_1455 : i32
          %swap3A_1457 = arith.constant 0 : i32
          %swap3A_1458 = arith.constant 5 : i32
          %swap3A_1459 = arith.constant 0 : i32
          %swap3A_1460 = arith.constant 0 : i32
          %swap3A_1461 = arith.constant 0 : i32
          %swap3A_1462 = arith.constant 0 : i32
          %swap3A_1463 = arith.constant 0 : i32
          %swap3A_1464 = arith.constant 0 : i32
          %swap3A_1465 = arith.constant 0 : i32
          %swap3A_1466 = tpu.memref_slice %run_scoped3A_8[%rem3A_330, %swap3A_1461, %swap3A_1462, %swap3A_1463, %swap3A_1464, %swap3A_1465] : memref<2x1x8x1x8x128xf32, #tpu.memory_space<vmem>> -> memref<1x1x8x1x8x128xf32, #tpu.memory_space<vmem>>
          %swap3A_1467 = tpu.memref_squeeze %swap3A_1466 : memref<1x1x8x1x8x128xf32, #tpu.memory_space<vmem>> -> memref<1x8x1x8x128xf32, #tpu.memory_space<vmem>>
          %swap3A_1468 = arith.index_cast %swap3A_1457 : i32 to index
          %swap3A_1469 = arith.index_cast %swap3A_1458 : i32 to index
          %swap3A_1470 = arith.index_cast %swap3A_1459 : i32 to index
          %swap3A_1471 = arith.index_cast %swap3A_1460 : i32 to index
          %swap3A_1472 = arith.index_cast %mul3A_1456 : i32 to index
          %swap3A_1473 = tpu.vector_load %swap3A_1467[%swap3A_1468, %swap3A_1469, %swap3A_1470, %swap3A_1471, %swap3A_1472] {strides = array<i32>} : memref<1x8x1x8x128xf32, #tpu.memory_space<vmem>>, vector<16xf32>,
          tpu.vector_store %swap3A_1467[%swap3A_1468, %swap3A_1469, %swap3A_1470, %swap3A_1471, %swap3A_1472], %gather3A_906 {strides = array<i32>} : memref<1x8x1x8x128xf32, #tpu.memory_space<vmem>>, vector<16xf32>,
          %mul3A_1474 = arith.constant 16 : i32
          %mul3A_1475 = arith.muli %add3A_431, %mul3A_1474 : i32
          %swap3A_1476 = arith.constant 0 : i32
          %swap3A_1477 = arith.constant 5 : i32
          %swap3A_1478 = arith.constant 0 : i32
          %swap3A_1479 = arith.constant 1 : i32
          %swap3A_1480 = arith.constant 0 : i32
          %swap3A_1481 = arith.constant 0 : i32
          %swap3A_1482 = arith.constant 0 : i32
          %swap3A_1483 = arith.constant 0 : i32
          %swap3A_1484 = arith.constant 0 : i32
          %swap3A_1485 = tpu.memref_slice %run_scoped3A_8[%rem3A_330, %swap3A_1480, %swap3A_1481, %swap3A_1482, %swap3A_1483, %swap3A_1484] : memref<2x1x8x1x8x128xf32, #tpu.memory_space<vmem>> -> memref<1x1x8x1x8x128xf32, #tpu.memory_space<vmem>>
          %swap3A_1486 = tpu.memref_squeeze %swap3A_1485 : memref<1x1x8x1x8x128xf32, #tpu.memory_space<vmem>> -> memref<1x8x1x8x128xf32, #tpu.memory_space<vmem>>
          %swap3A_1487 = arith.index_cast %swap3A_1476 : i32 to index
          %swap3A_1488 = arith.index_cast %swap3A_1477 : i32 to index
          %swap3A_1489 = arith.index_cast %swap3A_1478 : i32 to index
          %swap3A_1490 = arith.index_cast %swap3A_1479 : i32 to index
          %swap3A_1491 = arith.index_cast %mul3A_1475 : i32 to index
          %swap3A_1492 = tpu.vector_load %swap3A_1486[%swap3A_1487, %swap3A_1488, %swap3A_1489, %swap3A_1490, %swap3A_1491] {strides = array<i32>} : memref<1x8x1x8x128xf32, #tpu.memory_space<vmem>>, vector<16xf32>,
          tpu.vector_store %swap3A_1486[%swap3A_1487, %swap3A_1488, %swap3A_1489, %swap3A_1490, %swap3A_1491], %gather3A_910 {strides = array<i32>} : memref<1x8x1x8x128xf32, #tpu.memory_space<vmem>>, vector<16xf32>,
          %mul3A_1493 = arith.constant 16 : i32
          %mul3A_1494 = arith.muli %add3A_431, %mul3A_1493 : i32
          %swap3A_1495 = arith.constant 0 : i32
          %swap3A_1496 = arith.constant 5 : i32
          %swap3A_1497 = arith.constant 0 : i32
          %swap3A_1498 = arith.constant 2 : i32
          %swap3A_1499 = arith.constant 0 : i32
          %swap3A_1500 = arith.constant 0 : i32
          %swap3A_1501 = arith.constant 0 : i32
          %swap3A_1502 = arith.constant 0 : i32
          %swap3A_1503 = arith.constant 0 : i32
          %swap3A_1504 = tpu.memref_slice %run_scoped3A_8[%rem3A_330, %swap3A_1499, %swap3A_1500, %swap3A_1501, %swap3A_1502, %swap3A_1503] : memref<2x1x8x1x8x128xf32, #tpu.memory_space<vmem>> -> memref<1x1x8x1x8x128xf32, #tpu.memory_space<vmem>>
          %swap3A_1505 = tpu.memref_squeeze %swap3A_1504 : memref<1x1x8x1x8x128xf32, #tpu.memory_space<vmem>> -> memref<1x8x1x8x128xf32, #tpu.memory_space<vmem>>
          %swap3A_1506 = arith.index_cast %swap3A_1495 : i32 to index
          %swap3A_1507 = arith.index_cast %swap3A_1496 : i32 to index
          %swap3A_1508 = arith.index_cast %swap3A_1497 : i32 to index
          %swap3A_1509 = arith.index_cast %swap3A_1498 : i32 to index
          %swap3A_1510 = arith.index_cast %mul3A_1494 : i32 to index
          %swap3A_1511 = tpu.vector_load %swap3A_1505[%swap3A_1506, %swap3A_1507, %swap3A_1508, %swap3A_1509, %swap3A_1510] {strides = array<i32>} : memref<1x8x1x8x128xf32, #tpu.memory_space<vmem>>, vector<16xf32>,
          tpu.vector_store %swap3A_1505[%swap3A_1506, %swap3A_1507, %swap3A_1508, %swap3A_1509, %swap3A_1510], %gather3A_914 {strides = array<i32>} : memref<1x8x1x8x128xf32, #tpu.memory_space<vmem>>, vector<16xf32>,
          %mul3A_1512 = arith.constant 16 : i32
          %mul3A_1513 = arith.muli %add3A_431, %mul3A_1512 : i32
          %swap3A_1514 = arith.constant 0 : i32
          %swap3A_1515 = arith.constant 5 : i32
          %swap3A_1516 = arith.constant 0 : i32
          %swap3A_1517 = arith.constant 3 : i32
          %swap3A_1518 = arith.constant 0 : i32
          %swap3A_1519 = arith.constant 0 : i32
          %swap3A_1520 = arith.constant 0 : i32
          %swap3A_1521 = arith.constant 0 : i32
          %swap3A_1522 = arith.constant 0 : i32
          %swap3A_1523 = tpu.memref_slice %run_scoped3A_8[%rem3A_330, %swap3A_1518, %swap3A_1519, %swap3A_1520, %swap3A_1521, %swap3A_1522] : memref<2x1x8x1x8x128xf32, #tpu.memory_space<vmem>> -> memref<1x1x8x1x8x128xf32, #tpu.memory_space<vmem>>
          %swap3A_1524 = tpu.memref_squeeze %swap3A_1523 : memref<1x1x8x1x8x128xf32, #tpu.memory_space<vmem>> -> memref<1x8x1x8x128xf32, #tpu.memory_space<vmem>>
          %swap3A_1525 = arith.index_cast %swap3A_1514 : i32 to index
          %swap3A_1526 = arith.index_cast %swap3A_1515 : i32 to index
          %swap3A_1527 = arith.index_cast %swap3A_1516 : i32 to index
          %swap3A_1528 = arith.index_cast %swap3A_1517 : i32 to index
          %swap3A_1529 = arith.index_cast %mul3A_1513 : i32 to index
          %swap3A_1530 = tpu.vector_load %swap3A_1524[%swap3A_1525, %swap3A_1526, %swap3A_1527, %swap3A_1528, %swap3A_1529] {strides = array<i32>} : memref<1x8x1x8x128xf32, #tpu.memory_space<vmem>>, vector<16xf32>,
          tpu.vector_store %swap3A_1524[%swap3A_1525, %swap3A_1526, %swap3A_1527, %swap3A_1528, %swap3A_1529], %gather3A_918 {strides = array<i32>} : memref<1x8x1x8x128xf32, #tpu.memory_space<vmem>>, vector<16xf32>,
          %mul3A_1531 = arith.constant 16 : i32
          %mul3A_1532 = arith.muli %add3A_431, %mul3A_1531 : i32
          %swap3A_1533 = arith.constant 0 : i32
          %swap3A_1534 = arith.constant 5 : i32
          %swap3A_1535 = arith.constant 0 : i32
          %swap3A_1536 = arith.constant 4 : i32
          %swap3A_1537 = arith.constant 0 : i32
          %swap3A_1538 = arith.constant 0 : i32
          %swap3A_1539 = arith.constant 0 : i32
          %swap3A_1540 = arith.constant 0 : i32
          %swap3A_1541 = arith.constant 0 : i32
          %swap3A_1542 = tpu.memref_slice %run_scoped3A_8[%rem3A_330, %swap3A_1537, %swap3A_1538, %swap3A_1539, %swap3A_1540, %swap3A_1541] : memref<2x1x8x1x8x128xf32, #tpu.memory_space<vmem>> -> memref<1x1x8x1x8x128xf32, #tpu.memory_space<vmem>>
          %swap3A_1543 = tpu.memref_squeeze %swap3A_1542 : memref<1x1x8x1x8x128xf32, #tpu.memory_space<vmem>> -> memref<1x8x1x8x128xf32, #tpu.memory_space<vmem>>
          %swap3A_1544 = arith.index_cast %swap3A_1533 : i32 to index
          %swap3A_1545 = arith.index_cast %swap3A_1534 : i32 to index
          %swap3A_1546 = arith.index_cast %swap3A_1535 : i32 to index
          %swap3A_1547 = arith.index_cast %swap3A_1536 : i32 to index
          %swap3A_1548 = arith.index_cast %mul3A_1532 : i32 to index
          %swap3A_1549 = tpu.vector_load %swap3A_1543[%swap3A_1544, %swap3A_1545, %swap3A_1546, %swap3A_1547, %swap3A_1548] {strides = array<i32>} : memref<1x8x1x8x128xf32, #tpu.memory_space<vmem>>, vector<16xf32>,
          tpu.vector_store %swap3A_1543[%swap3A_1544, %swap3A_1545, %swap3A_1546, %swap3A_1547, %swap3A_1548], %gather3A_922 {strides = array<i32>} : memref<1x8x1x8x128xf32, #tpu.memory_space<vmem>>, vector<16xf32>,
          %mul3A_1550 = arith.constant 16 : i32
          %mul3A_1551 = arith.muli %add3A_431, %mul3A_1550 : i32
          %swap3A_1552 = arith.constant 0 : i32
          %swap3A_1553 = arith.constant 5 : i32
          %swap3A_1554 = arith.constant 0 : i32
          %swap3A_1555 = arith.constant 5 : i32
          %swap3A_1556 = arith.constant 0 : i32
          %swap3A_1557 = arith.constant 0 : i32
          %swap3A_1558 = arith.constant 0 : i32
          %swap3A_1559 = arith.constant 0 : i32
          %swap3A_1560 = arith.constant 0 : i32
          %swap3A_1561 = tpu.memref_slice %run_scoped3A_8[%rem3A_330, %swap3A_1556, %swap3A_1557, %swap3A_1558, %swap3A_1559, %swap3A_1560] : memref<2x1x8x1x8x128xf32, #tpu.memory_space<vmem>> -> memref<1x1x8x1x8x128xf32, #tpu.memory_space<vmem>>
          %swap3A_1562 = tpu.memref_squeeze %swap3A_1561 : memref<1x1x8x1x8x128xf32, #tpu.memory_space<vmem>> -> memref<1x8x1x8x128xf32, #tpu.memory_space<vmem>>
          %swap3A_1563 = arith.index_cast %swap3A_1552 : i32 to index
          %swap3A_1564 = arith.index_cast %swap3A_1553 : i32 to index
          %swap3A_1565 = arith.index_cast %swap3A_1554 : i32 to index
          %swap3A_1566 = arith.index_cast %swap3A_1555 : i32 to index
          %swap3A_1567 = arith.index_cast %mul3A_1551 : i32 to index
          %swap3A_1568 = tpu.vector_load %swap3A_1562[%swap3A_1563, %swap3A_1564, %swap3A_1565, %swap3A_1566, %swap3A_1567] {strides = array<i32>} : memref<1x8x1x8x128xf32, #tpu.memory_space<vmem>>, vector<16xf32>,
          tpu.vector_store %swap3A_1562[%swap3A_1563, %swap3A_1564, %swap3A_1565, %swap3A_1566, %swap3A_1567], %gather3A_926 {strides = array<i32>} : memref<1x8x1x8x128xf32, #tpu.memory_space<vmem>>, vector<16xf32>,
          %mul3A_1569 = arith.constant 16 : i32
          %mul3A_1570 = arith.muli %add3A_431, %mul3A_1569 : i32
          %swap3A_1571 = arith.constant 0 : i32
          %swap3A_1572 = arith.constant 5 : i32
          %swap3A_1573 = arith.constant 0 : i32
          %swap3A_1574 = arith.constant 6 : i32
          %swap3A_1575 = arith.constant 0 : i32
          %swap3A_1576 = arith.constant 0 : i32
          %swap3A_1577 = arith.constant 0 : i32
          %swap3A_1578 = arith.constant 0 : i32
          %swap3A_1579 = arith.constant 0 : i32
          %swap3A_1580 = tpu.memref_slice %run_scoped3A_8[%rem3A_330, %swap3A_1575, %swap3A_1576, %swap3A_1577, %swap3A_1578, %swap3A_1579] : memref<2x1x8x1x8x128xf32, #tpu.memory_space<vmem>> -> memref<1x1x8x1x8x128xf32, #tpu.memory_space<vmem>>
          %swap3A_1581 = tpu.memref_squeeze %swap3A_1580 : memref<1x1x8x1x8x128xf32, #tpu.memory_space<vmem>> -> memref<1x8x1x8x128xf32, #tpu.memory_space<vmem>>
          %swap3A_1582 = arith.index_cast %swap3A_1571 : i32 to index
          %swap3A_1583 = arith.index_cast %swap3A_1572 : i32 to index
          %swap3A_1584 = arith.index_cast %swap3A_1573 : i32 to index
          %swap3A_1585 = arith.index_cast %swap3A_1574 : i32 to index
          %swap3A_1586 = arith.index_cast %mul3A_1570 : i32 to index
          %swap3A_1587 = tpu.vector_load %swap3A_1581[%swap3A_1582, %swap3A_1583, %swap3A_1584, %swap3A_1585, %swap3A_1586] {strides = array<i32>} : memref<1x8x1x8x128xf32, #tpu.memory_space<vmem>>, vector<16xf32>,
          tpu.vector_store %swap3A_1581[%swap3A_1582, %swap3A_1583, %swap3A_1584, %swap3A_1585, %swap3A_1586], %gather3A_930 {strides = array<i32>} : memref<1x8x1x8x128xf32, #tpu.memory_space<vmem>>, vector<16xf32>,
          %mul3A_1588 = arith.constant 16 : i32
          %mul3A_1589 = arith.muli %add3A_431, %mul3A_1588 : i32
          %swap3A_1590 = arith.constant 0 : i32
          %swap3A_1591 = arith.constant 5 : i32
          %swap3A_1592 = arith.constant 0 : i32
          %swap3A_1593 = arith.constant 7 : i32
          %swap3A_1594 = arith.constant 0 : i32
          %swap3A_1595 = arith.constant 0 : i32
          %swap3A_1596 = arith.constant 0 : i32
          %swap3A_1597 = arith.constant 0 : i32
          %swap3A_1598 = arith.constant 0 : i32
          %swap3A_1599 = tpu.memref_slice %run_scoped3A_8[%rem3A_330, %swap3A_1594, %swap3A_1595, %swap3A_1596, %swap3A_1597, %swap3A_1598] : memref<2x1x8x1x8x128xf32, #tpu.memory_space<vmem>> -> memref<1x1x8x1x8x128xf32, #tpu.memory_space<vmem>>
          %swap3A_1600 = tpu.memref_squeeze %swap3A_1599 : memref<1x1x8x1x8x128xf32, #tpu.memory_space<vmem>> -> memref<1x8x1x8x128xf32, #tpu.memory_space<vmem>>
          %swap3A_1601 = arith.index_cast %swap3A_1590 : i32 to index
          %swap3A_1602 = arith.index_cast %swap3A_1591 : i32 to index
          %swap3A_1603 = arith.index_cast %swap3A_1592 : i32 to index
          %swap3A_1604 = arith.index_cast %swap3A_1593 : i32 to index
          %swap3A_1605 = arith.index_cast %mul3A_1589 : i32 to index
          %swap3A_1606 = tpu.vector_load %swap3A_1600[%swap3A_1601, %swap3A_1602, %swap3A_1603, %swap3A_1604, %swap3A_1605] {strides = array<i32>} : memref<1x8x1x8x128xf32, #tpu.memory_space<vmem>>, vector<16xf32>,
          tpu.vector_store %swap3A_1600[%swap3A_1601, %swap3A_1602, %swap3A_1603, %swap3A_1604, %swap3A_1605], %gather3A_934 {strides = array<i32>} : memref<1x8x1x8x128xf32, #tpu.memory_space<vmem>>, vector<16xf32>,
          %mul3A_1607 = arith.constant 16 : i32
          %mul3A_1608 = arith.muli %add3A_431, %mul3A_1607 : i32
          %swap3A_1609 = arith.constant 0 : i32
          %swap3A_1610 = arith.constant 6 : i32
          %swap3A_1611 = arith.constant 0 : i32
          %swap3A_1612 = arith.constant 0 : i32
          %swap3A_1613 = arith.constant 0 : i32
          %swap3A_1614 = arith.constant 0 : i32
          %swap3A_1615 = arith.constant 0 : i32
          %swap3A_1616 = arith.constant 0 : i32
          %swap3A_1617 = arith.constant 0 : i32
          %swap3A_1618 = tpu.memref_slice %run_scoped3A_8[%rem3A_330, %swap3A_1613, %swap3A_1614, %swap3A_1615, %swap3A_1616, %swap3A_1617] : memref<2x1x8x1x8x128xf32, #tpu.memory_space<vmem>> -> memref<1x1x8x1x8x128xf32, #tpu.memory_space<vmem>>
          %swap3A_1619 = tpu.memref_squeeze %swap3A_1618 : memref<1x1x8x1x8x128xf32, #tpu.memory_space<vmem>> -> memref<1x8x1x8x128xf32, #tpu.memory_space<vmem>>
          %swap3A_1620 = arith.index_cast %swap3A_1609 : i32 to index
          %swap3A_1621 = arith.index_cast %swap3A_1610 : i32 to index
          %swap3A_1622 = arith.index_cast %swap3A_1611 : i32 to index
          %swap3A_1623 = arith.index_cast %swap3A_1612 : i32 to index
          %swap3A_1624 = arith.index_cast %mul3A_1608 : i32 to index
          %swap3A_1625 = tpu.vector_load %swap3A_1619[%swap3A_1620, %swap3A_1621, %swap3A_1622, %swap3A_1623, %swap3A_1624] {strides = array<i32>} : memref<1x8x1x8x128xf32, #tpu.memory_space<vmem>>, vector<16xf32>,
          tpu.vector_store %swap3A_1619[%swap3A_1620, %swap3A_1621, %swap3A_1622, %swap3A_1623, %swap3A_1624], %gather3A_1242 {strides = array<i32>} : memref<1x8x1x8x128xf32, #tpu.memory_space<vmem>>, vector<16xf32>,
          %mul3A_1626 = arith.constant 16 : i32
          %mul3A_1627 = arith.muli %add3A_431, %mul3A_1626 : i32
          %swap3A_1628 = arith.constant 0 : i32
          %swap3A_1629 = arith.constant 6 : i32
          %swap3A_1630 = arith.constant 0 : i32
          %swap3A_1631 = arith.constant 1 : i32
          %swap3A_1632 = arith.constant 0 : i32
          %swap3A_1633 = arith.constant 0 : i32
          %swap3A_1634 = arith.constant 0 : i32
          %swap3A_1635 = arith.constant 0 : i32
          %swap3A_1636 = arith.constant 0 : i32
          %swap3A_1637 = tpu.memref_slice %run_scoped3A_8[%rem3A_330, %swap3A_1632, %swap3A_1633, %swap3A_1634, %swap3A_1635, %swap3A_1636] : memref<2x1x8x1x8x128xf32, #tpu.memory_space<vmem>> -> memref<1x1x8x1x8x128xf32, #tpu.memory_space<vmem>>
          %swap3A_1638 = tpu.memref_squeeze %swap3A_1637 : memref<1x1x8x1x8x128xf32, #tpu.memory_space<vmem>> -> memref<1x8x1x8x128xf32, #tpu.memory_space<vmem>>
          %swap3A_1639 = arith.index_cast %swap3A_1628 : i32 to index
          %swap3A_1640 = arith.index_cast %swap3A_1629 : i32 to index
          %swap3A_1641 = arith.index_cast %swap3A_1630 : i32 to index
          %swap3A_1642 = arith.index_cast %swap3A_1631 : i32 to index
          %swap3A_1643 = arith.index_cast %mul3A_1627 : i32 to index
          %swap3A_1644 = tpu.vector_load %swap3A_1638[%swap3A_1639, %swap3A_1640, %swap3A_1641, %swap3A_1642, %swap3A_1643] {strides = array<i32>} : memref<1x8x1x8x128xf32, #tpu.memory_space<vmem>>, vector<16xf32>,
          tpu.vector_store %swap3A_1638[%swap3A_1639, %swap3A_1640, %swap3A_1641, %swap3A_1642, %swap3A_1643], %gather3A_1246 {strides = array<i32>} : memref<1x8x1x8x128xf32, #tpu.memory_space<vmem>>, vector<16xf32>,
          %mul3A_1645 = arith.constant 16 : i32
          %mul3A_1646 = arith.muli %add3A_431, %mul3A_1645 : i32
          %swap3A_1647 = arith.constant 0 : i32
          %swap3A_1648 = arith.constant 6 : i32
          %swap3A_1649 = arith.constant 0 : i32
          %swap3A_1650 = arith.constant 2 : i32
          %swap3A_1651 = arith.constant 0 : i32
          %swap3A_1652 = arith.constant 0 : i32
          %swap3A_1653 = arith.constant 0 : i32
          %swap3A_1654 = arith.constant 0 : i32
          %swap3A_1655 = arith.constant 0 : i32
          %swap3A_1656 = tpu.memref_slice %run_scoped3A_8[%rem3A_330, %swap3A_1651, %swap3A_1652, %swap3A_1653, %swap3A_1654, %swap3A_1655] : memref<2x1x8x1x8x128xf32, #tpu.memory_space<vmem>> -> memref<1x1x8x1x8x128xf32, #tpu.memory_space<vmem>>
          %swap3A_1657 = tpu.memref_squeeze %swap3A_1656 : memref<1x1x8x1x8x128xf32, #tpu.memory_space<vmem>> -> memref<1x8x1x8x128xf32, #tpu.memory_space<vmem>>
          %swap3A_1658 = arith.index_cast %swap3A_1647 : i32 to index
          %swap3A_1659 = arith.index_cast %swap3A_1648 : i32 to index
          %swap3A_1660 = arith.index_cast %swap3A_1649 : i32 to index
          %swap3A_1661 = arith.index_cast %swap3A_1650 : i32 to index
          %swap3A_1662 = arith.index_cast %mul3A_1646 : i32 to index
          %swap3A_1663 = tpu.vector_load %swap3A_1657[%swap3A_1658, %swap3A_1659, %swap3A_1660, %swap3A_1661, %swap3A_1662] {strides = array<i32>} : memref<1x8x1x8x128xf32, #tpu.memory_space<vmem>>, vector<16xf32>,
          tpu.vector_store %swap3A_1657[%swap3A_1658, %swap3A_1659, %swap3A_1660, %swap3A_1661, %swap3A_1662], %gather3A_1250 {strides = array<i32>} : memref<1x8x1x8x128xf32, #tpu.memory_space<vmem>>, vector<16xf32>,
          %mul3A_1664 = arith.constant 16 : i32
          %mul3A_1665 = arith.muli %add3A_431, %mul3A_1664 : i32
          %swap3A_1666 = arith.constant 0 : i32
          %swap3A_1667 = arith.constant 6 : i32
          %swap3A_1668 = arith.constant 0 : i32
          %swap3A_1669 = arith.constant 3 : i32
          %swap3A_1670 = arith.constant 0 : i32
          %swap3A_1671 = arith.constant 0 : i32
          %swap3A_1672 = arith.constant 0 : i32
          %swap3A_1673 = arith.constant 0 : i32
          %swap3A_1674 = arith.constant 0 : i32
          %swap3A_1675 = tpu.memref_slice %run_scoped3A_8[%rem3A_330, %swap3A_1670, %swap3A_1671, %swap3A_1672, %swap3A_1673, %swap3A_1674] : memref<2x1x8x1x8x128xf32, #tpu.memory_space<vmem>> -> memref<1x1x8x1x8x128xf32, #tpu.memory_space<vmem>>
          %swap3A_1676 = tpu.memref_squeeze %swap3A_1675 : memref<1x1x8x1x8x128xf32, #tpu.memory_space<vmem>> -> memref<1x8x1x8x128xf32, #tpu.memory_space<vmem>>
          %swap3A_1677 = arith.index_cast %swap3A_1666 : i32 to index
          %swap3A_1678 = arith.index_cast %swap3A_1667 : i32 to index
          %swap3A_1679 = arith.index_cast %swap3A_1668 : i32 to index
          %swap3A_1680 = arith.index_cast %swap3A_1669 : i32 to index
          %swap3A_1681 = arith.index_cast %mul3A_1665 : i32 to index
          %swap3A_1682 = tpu.vector_load %swap3A_1676[%swap3A_1677, %swap3A_1678, %swap3A_1679, %swap3A_1680, %swap3A_1681] {strides = array<i32>} : memref<1x8x1x8x128xf32, #tpu.memory_space<vmem>>, vector<16xf32>,
          tpu.vector_store %swap3A_1676[%swap3A_1677, %swap3A_1678, %swap3A_1679, %swap3A_1680, %swap3A_1681], %gather3A_1254 {strides = array<i32>} : memref<1x8x1x8x128xf32, #tpu.memory_space<vmem>>, vector<16xf32>,
          %mul3A_1683 = arith.constant 16 : i32
          %mul3A_1684 = arith.muli %add3A_431, %mul3A_1683 : i32
          %swap3A_1685 = arith.constant 0 : i32
          %swap3A_1686 = arith.constant 6 : i32
          %swap3A_1687 = arith.constant 0 : i32
          %swap3A_1688 = arith.constant 4 : i32
          %swap3A_1689 = arith.constant 0 : i32
          %swap3A_1690 = arith.constant 0 : i32
          %swap3A_1691 = arith.constant 0 : i32
          %swap3A_1692 = arith.constant 0 : i32
          %swap3A_1693 = arith.constant 0 : i32
          %swap3A_1694 = tpu.memref_slice %run_scoped3A_8[%rem3A_330, %swap3A_1689, %swap3A_1690, %swap3A_1691, %swap3A_1692, %swap3A_1693] : memref<2x1x8x1x8x128xf32, #tpu.memory_space<vmem>> -> memref<1x1x8x1x8x128xf32, #tpu.memory_space<vmem>>
          %swap3A_1695 = tpu.memref_squeeze %swap3A_1694 : memref<1x1x8x1x8x128xf32, #tpu.memory_space<vmem>> -> memref<1x8x1x8x128xf32, #tpu.memory_space<vmem>>
          %swap3A_1696 = arith.index_cast %swap3A_1685 : i32 to index
          %swap3A_1697 = arith.index_cast %swap3A_1686 : i32 to index
          %swap3A_1698 = arith.index_cast %swap3A_1687 : i32 to index
          %swap3A_1699 = arith.index_cast %swap3A_1688 : i32 to index
          %swap3A_1700 = arith.index_cast %mul3A_1684 : i32 to index
          %swap3A_1701 = tpu.vector_load %swap3A_1695[%swap3A_1696, %swap3A_1697, %swap3A_1698, %swap3A_1699, %swap3A_1700] {strides = array<i32>} : memref<1x8x1x8x128xf32, #tpu.memory_space<vmem>>, vector<16xf32>,
          tpu.vector_store %swap3A_1695[%swap3A_1696, %swap3A_1697, %swap3A_1698, %swap3A_1699, %swap3A_1700], %gather3A_1258 {strides = array<i32>} : memref<1x8x1x8x128xf32, #tpu.memory_space<vmem>>, vector<16xf32>,
          %mul3A_1702 = arith.constant 16 : i32
          %mul3A_1703 = arith.muli %add3A_431, %mul3A_1702 : i32
          %swap3A_1704 = arith.constant 0 : i32
          %swap3A_1705 = arith.constant 6 : i32
          %swap3A_1706 = arith.constant 0 : i32
          %swap3A_1707 = arith.constant 5 : i32
          %swap3A_1708 = arith.constant 0 : i32
          %swap3A_1709 = arith.constant 0 : i32
          %swap3A_1710 = arith.constant 0 : i32
          %swap3A_1711 = arith.constant 0 : i32
          %swap3A_1712 = arith.constant 0 : i32
          %swap3A_1713 = tpu.memref_slice %run_scoped3A_8[%rem3A_330, %swap3A_1708, %swap3A_1709, %swap3A_1710, %swap3A_1711, %swap3A_1712] : memref<2x1x8x1x8x128xf32, #tpu.memory_space<vmem>> -> memref<1x1x8x1x8x128xf32, #tpu.memory_space<vmem>>
          %swap3A_1714 = tpu.memref_squeeze %swap3A_1713 : memref<1x1x8x1x8x128xf32, #tpu.memory_space<vmem>> -> memref<1x8x1x8x128xf32, #tpu.memory_space<vmem>>
          %swap3A_1715 = arith.index_cast %swap3A_1704 : i32 to index
          %swap3A_1716 = arith.index_cast %swap3A_1705 : i32 to index
          %swap3A_1717 = arith.index_cast %swap3A_1706 : i32 to index
          %swap3A_1718 = arith.index_cast %swap3A_1707 : i32 to index
          %swap3A_1719 = arith.index_cast %mul3A_1703 : i32 to index
          %swap3A_1720 = tpu.vector_load %swap3A_1714[%swap3A_1715, %swap3A_1716, %swap3A_1717, %swap3A_1718, %swap3A_1719] {strides = array<i32>} : memref<1x8x1x8x128xf32, #tpu.memory_space<vmem>>, vector<16xf32>,
          tpu.vector_store %swap3A_1714[%swap3A_1715, %swap3A_1716, %swap3A_1717, %swap3A_1718, %swap3A_1719], %gather3A_1262 {strides = array<i32>} : memref<1x8x1x8x128xf32, #tpu.memory_space<vmem>>, vector<16xf32>,
          %mul3A_1721 = arith.constant 16 : i32
          %mul3A_1722 = arith.muli %add3A_431, %mul3A_1721 : i32
          %swap3A_1723 = arith.constant 0 : i32
          %swap3A_1724 = arith.constant 6 : i32
          %swap3A_1725 = arith.constant 0 : i32
          %swap3A_1726 = arith.constant 6 : i32
          %swap3A_1727 = arith.constant 0 : i32
          %swap3A_1728 = arith.constant 0 : i32
          %swap3A_1729 = arith.constant 0 : i32
          %swap3A_1730 = arith.constant 0 : i32
          %swap3A_1731 = arith.constant 0 : i32
          %swap3A_1732 = tpu.memref_slice %run_scoped3A_8[%rem3A_330, %swap3A_1727, %swap3A_1728, %swap3A_1729, %swap3A_1730, %swap3A_1731] : memref<2x1x8x1x8x128xf32, #tpu.memory_space<vmem>> -> memref<1x1x8x1x8x128xf32, #tpu.memory_space<vmem>>
          %swap3A_1733 = tpu.memref_squeeze %swap3A_1732 : memref<1x1x8x1x8x128xf32, #tpu.memory_space<vmem>> -> memref<1x8x1x8x128xf32, #tpu.memory_space<vmem>>
          %swap3A_1734 = arith.index_cast %swap3A_1723 : i32 to index
          %swap3A_1735 = arith.index_cast %swap3A_1724 : i32 to index
          %swap3A_1736 = arith.index_cast %swap3A_1725 : i32 to index
          %swap3A_1737 = arith.index_cast %swap3A_1726 : i32 to index
          %swap3A_1738 = arith.index_cast %mul3A_1722 : i32 to index
          %swap3A_1739 = tpu.vector_load %swap3A_1733[%swap3A_1734, %swap3A_1735, %swap3A_1736, %swap3A_1737, %swap3A_1738] {strides = array<i32>} : memref<1x8x1x8x128xf32, #tpu.memory_space<vmem>>, vector<16xf32>,
          tpu.vector_store %swap3A_1733[%swap3A_1734, %swap3A_1735, %swap3A_1736, %swap3A_1737, %swap3A_1738], %gather3A_1266 {strides = array<i32>} : memref<1x8x1x8x128xf32, #tpu.memory_space<vmem>>, vector<16xf32>,
          %mul3A_1740 = arith.constant 16 : i32
          %mul3A_1741 = arith.muli %add3A_431, %mul3A_1740 : i32
          %swap3A_1742 = arith.constant 0 : i32
          %swap3A_1743 = arith.constant 6 : i32
          %swap3A_1744 = arith.constant 0 : i32
          %swap3A_1745 = arith.constant 7 : i32
          %swap3A_1746 = arith.constant 0 : i32
          %swap3A_1747 = arith.constant 0 : i32
          %swap3A_1748 = arith.constant 0 : i32
          %swap3A_1749 = arith.constant 0 : i32
          %swap3A_1750 = arith.constant 0 : i32
          %swap3A_1751 = tpu.memref_slice %run_scoped3A_8[%rem3A_330, %swap3A_1746, %swap3A_1747, %swap3A_1748, %swap3A_1749, %swap3A_1750] : memref<2x1x8x1x8x128xf32, #tpu.memory_space<vmem>> -> memref<1x1x8x1x8x128xf32, #tpu.memory_space<vmem>>
          %swap3A_1752 = tpu.memref_squeeze %swap3A_1751 : memref<1x1x8x1x8x128xf32, #tpu.memory_space<vmem>> -> memref<1x8x1x8x128xf32, #tpu.memory_space<vmem>>
          %swap3A_1753 = arith.index_cast %swap3A_1742 : i32 to index
          %swap3A_1754 = arith.index_cast %swap3A_1743 : i32 to index
          %swap3A_1755 = arith.index_cast %swap3A_1744 : i32 to index
          %swap3A_1756 = arith.index_cast %swap3A_1745 : i32 to index
          %swap3A_1757 = arith.index_cast %mul3A_1741 : i32 to index
          %swap3A_1758 = tpu.vector_load %swap3A_1752[%swap3A_1753, %swap3A_1754, %swap3A_1755, %swap3A_1756, %swap3A_1757] {strides = array<i32>} : memref<1x8x1x8x128xf32, #tpu.memory_space<vmem>>, vector<16xf32>,
          tpu.vector_store %swap3A_1752[%swap3A_1753, %swap3A_1754, %swap3A_1755, %swap3A_1756, %swap3A_1757], %gather3A_1270 {strides = array<i32>} : memref<1x8x1x8x128xf32, #tpu.memory_space<vmem>>, vector<16xf32>,
          %mul3A_1759 = arith.constant 16 : i32
          %mul3A_1760 = arith.muli %add3A_431, %mul3A_1759 : i32
          %swap3A_1761 = arith.constant 0 : i32
          %swap3A_1762 = arith.constant 7 : i32
          %swap3A_1763 = arith.constant 0 : i32
          %swap3A_1764 = arith.constant 0 : i32
          %swap3A_1765 = arith.constant 0 : i32
          %swap3A_1766 = arith.constant 0 : i32
          %swap3A_1767 = arith.constant 0 : i32
          %swap3A_1768 = arith.constant 0 : i32
          %swap3A_1769 = arith.constant 0 : i32
          %swap3A_1770 = tpu.memref_slice %run_scoped3A_8[%rem3A_330, %swap3A_1765, %swap3A_1766, %swap3A_1767, %swap3A_1768, %swap3A_1769] : memref<2x1x8x1x8x128xf32, #tpu.memory_space<vmem>> -> memref<1x1x8x1x8x128xf32, #tpu.memory_space<vmem>>
          %swap3A_1771 = tpu.memref_squeeze %swap3A_1770 : memref<1x1x8x1x8x128xf32, #tpu.memory_space<vmem>> -> memref<1x8x1x8x128xf32, #tpu.memory_space<vmem>>
          %swap3A_1772 = arith.index_cast %swap3A_1761 : i32 to index
          %swap3A_1773 = arith.index_cast %swap3A_1762 : i32 to index
          %swap3A_1774 = arith.index_cast %swap3A_1763 : i32 to index
          %swap3A_1775 = arith.index_cast %swap3A_1764 : i32 to index
          %swap3A_1776 = arith.index_cast %mul3A_1760 : i32 to index
          %swap3A_1777 = tpu.vector_load %swap3A_1771[%swap3A_1772, %swap3A_1773, %swap3A_1774, %swap3A_1775, %swap3A_1776] {strides = array<i32>} : memref<1x8x1x8x128xf32, #tpu.memory_space<vmem>>, vector<16xf32>,
          tpu.vector_store %swap3A_1771[%swap3A_1772, %swap3A_1773, %swap3A_1774, %swap3A_1775, %swap3A_1776], %gather3A_1274 {strides = array<i32>} : memref<1x8x1x8x128xf32, #tpu.memory_space<vmem>>, vector<16xf32>,
          %mul3A_1778 = arith.constant 16 : i32
          %mul3A_1779 = arith.muli %add3A_431, %mul3A_1778 : i32
          %swap3A_1780 = arith.constant 0 : i32
          %swap3A_1781 = arith.constant 7 : i32
          %swap3A_1782 = arith.constant 0 : i32
          %swap3A_1783 = arith.constant 1 : i32
          %swap3A_1784 = arith.constant 0 : i32
          %swap3A_1785 = arith.constant 0 : i32
          %swap3A_1786 = arith.constant 0 : i32
          %swap3A_1787 = arith.constant 0 : i32
          %swap3A_1788 = arith.constant 0 : i32
          %swap3A_1789 = tpu.memref_slice %run_scoped3A_8[%rem3A_330, %swap3A_1784, %swap3A_1785, %swap3A_1786, %swap3A_1787, %swap3A_1788] : memref<2x1x8x1x8x128xf32, #tpu.memory_space<vmem>> -> memref<1x1x8x1x8x128xf32, #tpu.memory_space<vmem>>
          %swap3A_1790 = tpu.memref_squeeze %swap3A_1789 : memref<1x1x8x1x8x128xf32, #tpu.memory_space<vmem>> -> memref<1x8x1x8x128xf32, #tpu.memory_space<vmem>>
          %swap3A_1791 = arith.index_cast %swap3A_1780 : i32 to index
          %swap3A_1792 = arith.index_cast %swap3A_1781 : i32 to index
          %swap3A_1793 = arith.index_cast %swap3A_1782 : i32 to index
          %swap3A_1794 = arith.index_cast %swap3A_1783 : i32 to index
          %swap3A_1795 = arith.index_cast %mul3A_1779 : i32 to index
          %swap3A_1796 = tpu.vector_load %swap3A_1790[%swap3A_1791, %swap3A_1792, %swap3A_1793, %swap3A_1794, %swap3A_1795] {strides = array<i32>} : memref<1x8x1x8x128xf32, #tpu.memory_space<vmem>>, vector<16xf32>,
          tpu.vector_store %swap3A_1790[%swap3A_1791, %swap3A_1792, %swap3A_1793, %swap3A_1794, %swap3A_1795], %gather3A_1278 {strides = array<i32>} : memref<1x8x1x8x128xf32, #tpu.memory_space<vmem>>, vector<16xf32>,
          %mul3A_1797 = arith.constant 16 : i32
          %mul3A_1798 = arith.muli %add3A_431, %mul3A_1797 : i32
          %swap3A_1799 = arith.constant 0 : i32
          %swap3A_1800 = arith.constant 7 : i32
          %swap3A_1801 = arith.constant 0 : i32
          %swap3A_1802 = arith.constant 2 : i32
          %swap3A_1803 = arith.constant 0 : i32
          %swap3A_1804 = arith.constant 0 : i32
          %swap3A_1805 = arith.constant 0 : i32
          %swap3A_1806 = arith.constant 0 : i32
          %swap3A_1807 = arith.constant 0 : i32
          %swap3A_1808 = tpu.memref_slice %run_scoped3A_8[%rem3A_330, %swap3A_1803, %swap3A_1804, %swap3A_1805, %swap3A_1806, %swap3A_1807] : memref<2x1x8x1x8x128xf32, #tpu.memory_space<vmem>> -> memref<1x1x8x1x8x128xf32, #tpu.memory_space<vmem>>
          %swap3A_1809 = tpu.memref_squeeze %swap3A_1808 : memref<1x1x8x1x8x128xf32, #tpu.memory_space<vmem>> -> memref<1x8x1x8x128xf32, #tpu.memory_space<vmem>>
          %swap3A_1810 = arith.index_cast %swap3A_1799 : i32 to index
          %swap3A_1811 = arith.index_cast %swap3A_1800 : i32 to index
          %swap3A_1812 = arith.index_cast %swap3A_1801 : i32 to index
          %swap3A_1813 = arith.index_cast %swap3A_1802 : i32 to index
          %swap3A_1814 = arith.index_cast %mul3A_1798 : i32 to index
          %swap3A_1815 = tpu.vector_load %swap3A_1809[%swap3A_1810, %swap3A_1811, %swap3A_1812, %swap3A_1813, %swap3A_1814] {strides = array<i32>} : memref<1x8x1x8x128xf32, #tpu.memory_space<vmem>>, vector<16xf32>,
          tpu.vector_store %swap3A_1809[%swap3A_1810, %swap3A_1811, %swap3A_1812, %swap3A_1813, %swap3A_1814], %gather3A_1282 {strides = array<i32>} : memref<1x8x1x8x128xf32, #tpu.memory_space<vmem>>, vector<16xf32>,
          %mul3A_1816 = arith.constant 16 : i32
          %mul3A_1817 = arith.muli %add3A_431, %mul3A_1816 : i32
          %swap3A_1818 = arith.constant 0 : i32
          %swap3A_1819 = arith.constant 7 : i32
          %swap3A_1820 = arith.constant 0 : i32
          %swap3A_1821 = arith.constant 3 : i32
          %swap3A_1822 = arith.constant 0 : i32
          %swap3A_1823 = arith.constant 0 : i32
          %swap3A_1824 = arith.constant 0 : i32
          %swap3A_1825 = arith.constant 0 : i32
          %swap3A_1826 = arith.constant 0 : i32
          %swap3A_1827 = tpu.memref_slice %run_scoped3A_8[%rem3A_330, %swap3A_1822, %swap3A_1823, %swap3A_1824, %swap3A_1825, %swap3A_1826] : memref<2x1x8x1x8x128xf32, #tpu.memory_space<vmem>> -> memref<1x1x8x1x8x128xf32, #tpu.memory_space<vmem>>
          %swap3A_1828 = tpu.memref_squeeze %swap3A_1827 : memref<1x1x8x1x8x128xf32, #tpu.memory_space<vmem>> -> memref<1x8x1x8x128xf32, #tpu.memory_space<vmem>>
          %swap3A_1829 = arith.index_cast %swap3A_1818 : i32 to index
          %swap3A_1830 = arith.index_cast %swap3A_1819 : i32 to index
          %swap3A_1831 = arith.index_cast %swap3A_1820 : i32 to index
          %swap3A_1832 = arith.index_cast %swap3A_1821 : i32 to index
          %swap3A_1833 = arith.index_cast %mul3A_1817 : i32 to index
          %swap3A_1834 = tpu.vector_load %swap3A_1828[%swap3A_1829, %swap3A_1830, %swap3A_1831, %swap3A_1832, %swap3A_1833] {strides = array<i32>} : memref<1x8x1x8x128xf32, #tpu.memory_space<vmem>>, vector<16xf32>,
          tpu.vector_store %swap3A_1828[%swap3A_1829, %swap3A_1830, %swap3A_1831, %swap3A_1832, %swap3A_1833], %gather3A_1286 {strides = array<i32>} : memref<1x8x1x8x128xf32, #tpu.memory_space<vmem>>, vector<16xf32>,
          %mul3A_1835 = arith.constant 16 : i32
          %mul3A_1836 = arith.muli %add3A_431, %mul3A_1835 : i32
          %swap3A_1837 = arith.constant 0 : i32
          %swap3A_1838 = arith.constant 7 : i32
          %swap3A_1839 = arith.constant 0 : i32
          %swap3A_1840 = arith.constant 4 : i32
          %swap3A_1841 = arith.constant 0 : i32
          %swap3A_1842 = arith.constant 0 : i32
          %swap3A_1843 = arith.constant 0 : i32
          %swap3A_1844 = arith.constant 0 : i32
          %swap3A_1845 = arith.constant 0 : i32
          %swap3A_1846 = tpu.memref_slice %run_scoped3A_8[%rem3A_330, %swap3A_1841, %swap3A_1842, %swap3A_1843, %swap3A_1844, %swap3A_1845] : memref<2x1x8x1x8x128xf32, #tpu.memory_space<vmem>> -> memref<1x1x8x1x8x128xf32, #tpu.memory_space<vmem>>
          %swap3A_1847 = tpu.memref_squeeze %swap3A_1846 : memref<1x1x8x1x8x128xf32, #tpu.memory_space<vmem>> -> memref<1x8x1x8x128xf32, #tpu.memory_space<vmem>>
          %swap3A_1848 = arith.index_cast %swap3A_1837 : i32 to index
          %swap3A_1849 = arith.index_cast %swap3A_1838 : i32 to index
          %swap3A_1850 = arith.index_cast %swap3A_1839 : i32 to index
          %swap3A_1851 = arith.index_cast %swap3A_1840 : i32 to index
          %swap3A_1852 = arith.index_cast %mul3A_1836 : i32 to index
          %swap3A_1853 = tpu.vector_load %swap3A_1847[%swap3A_1848, %swap3A_1849, %swap3A_1850, %swap3A_1851, %swap3A_1852] {strides = array<i32>} : memref<1x8x1x8x128xf32, #tpu.memory_space<vmem>>, vector<16xf32>,
          tpu.vector_store %swap3A_1847[%swap3A_1848, %swap3A_1849, %swap3A_1850, %swap3A_1851, %swap3A_1852], %gather3A_1290 {strides = array<i32>} : memref<1x8x1x8x128xf32, #tpu.memory_space<vmem>>, vector<16xf32>,
          %mul3A_1854 = arith.constant 16 : i32
          %mul3A_1855 = arith.muli %add3A_431, %mul3A_1854 : i32
          %swap3A_1856 = arith.constant 0 : i32
          %swap3A_1857 = arith.constant 7 : i32
          %swap3A_1858 = arith.constant 0 : i32
          %swap3A_1859 = arith.constant 5 : i32
          %swap3A_1860 = arith.constant 0 : i32
          %swap3A_1861 = arith.constant 0 : i32
          %swap3A_1862 = arith.constant 0 : i32
          %swap3A_1863 = arith.constant 0 : i32
          %swap3A_1864 = arith.constant 0 : i32
          %swap3A_1865 = tpu.memref_slice %run_scoped3A_8[%rem3A_330, %swap3A_1860, %swap3A_1861, %swap3A_1862, %swap3A_1863, %swap3A_1864] : memref<2x1x8x1x8x128xf32, #tpu.memory_space<vmem>> -> memref<1x1x8x1x8x128xf32, #tpu.memory_space<vmem>>
          %swap3A_1866 = tpu.memref_squeeze %swap3A_1865 : memref<1x1x8x1x8x128xf32, #tpu.memory_space<vmem>> -> memref<1x8x1x8x128xf32, #tpu.memory_space<vmem>>
          %swap3A_1867 = arith.index_cast %swap3A_1856 : i32 to index
          %swap3A_1868 = arith.index_cast %swap3A_1857 : i32 to index
          %swap3A_1869 = arith.index_cast %swap3A_1858 : i32 to index
          %swap3A_1870 = arith.index_cast %swap3A_1859 : i32 to index
          %swap3A_1871 = arith.index_cast %mul3A_1855 : i32 to index
          %swap3A_1872 = tpu.vector_load %swap3A_1866[%swap3A_1867, %swap3A_1868, %swap3A_1869, %swap3A_1870, %swap3A_1871] {strides = array<i32>} : memref<1x8x1x8x128xf32, #tpu.memory_space<vmem>>, vector<16xf32>,
          tpu.vector_store %swap3A_1866[%swap3A_1867, %swap3A_1868, %swap3A_1869, %swap3A_1870, %swap3A_1871], %gather3A_1294 {strides = array<i32>} : memref<1x8x1x8x128xf32, #tpu.memory_space<vmem>>, vector<16xf32>,
          %mul3A_1873 = arith.constant 16 : i32
          %mul3A_1874 = arith.muli %add3A_431, %mul3A_1873 : i32
          %swap3A_1875 = arith.constant 0 : i32
          %swap3A_1876 = arith.constant 7 : i32
          %swap3A_1877 = arith.constant 0 : i32
          %swap3A_1878 = arith.constant 6 : i32
          %swap3A_1879 = arith.constant 0 : i32
          %swap3A_1880 = arith.constant 0 : i32
          %swap3A_1881 = arith.constant 0 : i32
          %swap3A_1882 = arith.constant 0 : i32
          %swap3A_1883 = arith.constant 0 : i32
          %swap3A_1884 = tpu.memref_slice %run_scoped3A_8[%rem3A_330, %swap3A_1879, %swap3A_1880, %swap3A_1881, %swap3A_1882, %swap3A_1883] : memref<2x1x8x1x8x128xf32, #tpu.memory_space<vmem>> -> memref<1x1x8x1x8x128xf32, #tpu.memory_space<vmem>>
          %swap3A_1885 = tpu.memref_squeeze %swap3A_1884 : memref<1x1x8x1x8x128xf32, #tpu.memory_space<vmem>> -> memref<1x8x1x8x128xf32, #tpu.memory_space<vmem>>
          %swap3A_1886 = arith.index_cast %swap3A_1875 : i32 to index
          %swap3A_1887 = arith.index_cast %swap3A_1876 : i32 to index
          %swap3A_1888 = arith.index_cast %swap3A_1877 : i32 to index
          %swap3A_1889 = arith.index_cast %swap3A_1878 : i32 to index
          %swap3A_1890 = arith.index_cast %mul3A_1874 : i32 to index
          %swap3A_1891 = tpu.vector_load %swap3A_1885[%swap3A_1886, %swap3A_1887, %swap3A_1888, %swap3A_1889, %swap3A_1890] {strides = array<i32>} : memref<1x8x1x8x128xf32, #tpu.memory_space<vmem>>, vector<16xf32>,
          tpu.vector_store %swap3A_1885[%swap3A_1886, %swap3A_1887, %swap3A_1888, %swap3A_1889, %swap3A_1890], %gather3A_1298 {strides = array<i32>} : memref<1x8x1x8x128xf32, #tpu.memory_space<vmem>>, vector<16xf32>,
          %mul3A_1892 = arith.constant 16 : i32
          %mul3A_1893 = arith.muli %add3A_431, %mul3A_1892 : i32
          %swap3A_1894 = arith.constant 0 : i32
          %swap3A_1895 = arith.constant 7 : i32
          %swap3A_1896 = arith.constant 0 : i32
          %swap3A_1897 = arith.constant 7 : i32
          %swap3A_1898 = arith.constant 0 : i32
          %swap3A_1899 = arith.constant 0 : i32
          %swap3A_1900 = arith.constant 0 : i32
          %swap3A_1901 = arith.constant 0 : i32
          %swap3A_1902 = arith.constant 0 : i32
          %swap3A_1903 = tpu.memref_slice %run_scoped3A_8[%rem3A_330, %swap3A_1898, %swap3A_1899, %swap3A_1900, %swap3A_1901, %swap3A_1902] : memref<2x1x8x1x8x128xf32, #tpu.memory_space<vmem>> -> memref<1x1x8x1x8x128xf32, #tpu.memory_space<vmem>>
          %swap3A_1904 = tpu.memref_squeeze %swap3A_1903 : memref<1x1x8x1x8x128xf32, #tpu.memory_space<vmem>> -> memref<1x8x1x8x128xf32, #tpu.memory_space<vmem>>
          %swap3A_1905 = arith.index_cast %swap3A_1894 : i32 to index
          %swap3A_1906 = arith.index_cast %swap3A_1895 : i32 to index
          %swap3A_1907 = arith.index_cast %swap3A_1896 : i32 to index
          %swap3A_1908 = arith.index_cast %swap3A_1897 : i32 to index
          %swap3A_1909 = arith.index_cast %mul3A_1893 : i32 to index
          %swap3A_1910 = tpu.vector_load %swap3A_1904[%swap3A_1905, %swap3A_1906, %swap3A_1907, %swap3A_1908, %swap3A_1909] {strides = array<i32>} : memref<1x8x1x8x128xf32, #tpu.memory_space<vmem>>, vector<16xf32>,
          tpu.vector_store %swap3A_1904[%swap3A_1905, %swap3A_1906, %swap3A_1907, %swap3A_1908, %swap3A_1909], %gather3A_1302 {strides = array<i32>} : memref<1x8x1x8x128xf32, #tpu.memory_space<vmem>>, vector<16xf32>,
        }
        %scan3A_335 = arith.constant 8 : i32
        "tpu.trace_stop"() : () -> ()
        %ne3A_336 = arith.cmpi ne, %add3A_216, %add3A_254 : i32
        %ne3A_337 = arith.cmpi ne, %add3A_218, %add3A_256 : i32
        %or3A_338 = arith.constant false
        %or3A_339 = arith.ori %or3A_338, %ne3A_336 : i1
        %or3A_340 = arith.ori %or3A_339, %ne3A_337 : i1
        %or3A_341 = arith.ori %or3A_340, %eq3A_214 : i1
        %convert_element_type3A_342 = arith.extui %or3A_341 : i1 to i32
        %cond3A_343 = arith.constant 0 : i32
        %cond3A_344 = arith.cmpi ne, %convert_element_type3A_342, %cond3A_343 : i32
        scf.if %cond3A_344 {
        } else {
        }
        %and3A_345 = arith.constant false
        %and3A_346 = arith.andi %or3A_341, %and3A_345 : i1
        %ne3A_347 = arith.cmpi ne, %add3A_216, %add3A_254 : i32
        %ne3A_348 = arith.cmpi ne, %add3A_218, %add3A_256 : i32
        %or3A_349 = arith.constant false
        %or3A_350 = arith.ori %or3A_349, %ne3A_347 : i1
        %or3A_351 = arith.constant false
        %or3A_352 = arith.ori %or3A_350, %or3A_351 : i1
        %or3A_353 = arith.ori %or3A_352, %ne3A_348 : i1
        %or3A_354 = arith.constant false
        %or3A_355 = arith.ori %or3A_353, %or3A_354 : i1
        %or3A_356 = arith.constant false
        %or3A_357 = arith.ori %or3A_355, %or3A_356 : i1
        %or3A_358 = arith.ori %or3A_357, %eq3A_214 : i1
        %convert_element_type3A_359 = arith.extui %or3A_358 : i1 to i32
        %cond3A_360 = arith.constant 0 : i32
        %cond3A_361 = arith.cmpi ne, %convert_element_type3A_359, %cond3A_360 : i32
        scf.if %cond3A_361 {
          "tpu.trace_start"() <{level = 10 : i32, message = "ep_copy_out"}> : () -> ()
          %rem3A_427 = arith.constant 2 : i32
          %rem3A_428 = arith.remui %scan3A_207, %rem3A_427 : i32
          %mul3A_429 = arith.constant 1 : i32
          %mul3A_430 = arith.muli %mul3A_429, %add3A_216 : i32
          %mul3A_431 = arith.constant 1 : i32
          %mul3A_432 = arith.muli %mul3A_431, %add3A_218 : i32
          %dma_start3A_433 = arith.constant 0 : i32
          %dma_start3A_434 = arith.constant 0 : i32
          %dma_start3A_435 = arith.constant 0 : i32
          %dma_start3A_436 = arith.constant 0 : i32
          %dma_start3A_437 = arith.constant 0 : i32
          %dma_start3A_438 = tpu.memref_slice %run_scoped3A_8[%rem3A_428, %dma_start3A_433, %dma_start3A_434, %dma_start3A_435, %dma_start3A_436, %dma_start3A_437] : memref<2x1x8x1x8x128xf32, #tpu.memory_space<vmem>> -> memref<1x1x8x1x8x128xf32, #tpu.memory_space<vmem>>
          %dma_start3A_439 = tpu.memref_squeeze %dma_start3A_438 : memref<1x1x8x1x8x128xf32, #tpu.memory_space<vmem>> -> memref<1x8x1x8x128xf32, #tpu.memory_space<vmem>>
          %dma_start3A_440 = arith.constant 0 : i32
          %dma_start3A_441 = arith.constant 0 : i32
          %dma_start3A_442 = arith.constant 0 : i32
          %dma_start3A_443 = tpu.memref_slice %arg4[%mul3A_430, %dma_start3A_440, %mul3A_432, %dma_start3A_441, %dma_start3A_442] : memref<200x8x32x8x128xf32, #tpu.memory_space<hbm>> -> memref<1x8x1x8x128xf32, #tpu.memory_space<hbm>>
          %dma_start3A_444 = tpu.memref_slice %run_scoped3A_9[%rem3A_428] : memref<2x!tpu.dma_semaphore, #tpu.memory_space<semaphore_mem>> -> memref<1x!tpu.dma_semaphore, #tpu.memory_space<semaphore_mem>>
          %dma_start3A_445 = tpu.memref_squeeze %dma_start3A_444 : memref<1x!tpu.dma_semaphore, #tpu.memory_space<semaphore_mem>> -> memref<!tpu.dma_semaphore, #tpu.memory_space<semaphore_mem>>
          %dma_start3A_446 = arith.constant 0 : i32
          %dma_start3A_447 = arith.constant 0 : i32
          %dma_start3A_448 = arith.constant 0 : i32
          %dma_start3A_449 = tpu.memref_slice %arg4[%mul3A_430, %dma_start3A_446, %mul3A_432, %dma_start3A_447, %dma_start3A_448] : memref<200x8x32x8x128xf32, #tpu.memory_space<hbm>> -> memref<1x8x1x8x128xf32, #tpu.memory_space<hbm>>
          %dma_start3A_450 = arith.constant 0 : i32
          %dma_start3A_451 = arith.constant 0 : i32
          %dma_start3A_452 = arith.constant 0 : i32
          %dma_start3A_453 = arith.constant 0 : i32
          %dma_start3A_454 = arith.constant 0 : i32
          %dma_start3A_455 = tpu.memref_slice %run_scoped3A_8[%rem3A_428, %dma_start3A_450, %dma_start3A_451, %dma_start3A_452, %dma_start3A_453, %dma_start3A_454] : memref<2x1x8x1x8x128xf32, #tpu.memory_space<vmem>> -> memref<1x1x8x1x8x128xf32, #tpu.memory_space<vmem>>
          %dma_start3A_456 = tpu.memref_squeeze %dma_start3A_455 : memref<1x1x8x1x8x128xf32, #tpu.memory_space<vmem>> -> memref<1x8x1x8x128xf32, #tpu.memory_space<vmem>>
          tpu.enqueue_dma source(%dma_start3A_456 : memref<1x8x1x8x128xf32, #tpu.memory_space<vmem>>) target(%dma_start3A_449 : memref<1x8x1x8x128xf32, #tpu.memory_space<hbm>>) target_semaphore(%dma_start3A_445 : memref<!tpu.dma_semaphore, #tpu.memory_space<semaphore_mem>>)
          "tpu.trace_stop"() : () -> ()
        } else {
        }
        %and3A_362 = arith.constant true
        %and3A_363 = arith.andi %or3A_358, %and3A_362 : i1
        %add3A_364 = arith.constant 1 : i32
        %add3A_365 = arith.addi %scan3A_207, %add3A_364 : i32
        %select_n3A_366 = arith.select %and3A_363, %add3A_365, %scan3A_207 : i32
        %ne3A_367 = arith.cmpi ne, %add3A_216, %add3A_235 : i32
        %ne3A_368 = arith.cmpi ne, %add3A_218, %add3A_237 : i32
        %or3A_369 = arith.constant false
        %or3A_370 = arith.ori %or3A_369, %ne3A_367 : i1
        %or3A_371 = arith.ori %or3A_370, %ne3A_368 : i1
        %not3A_372 = arith.constant true
        %not3A_373 = arith.xori %eq3A_212, %not3A_372 : i1
        %and3A_374 = arith.andi %or3A_371, %not3A_373 : i1
        %convert_element_type3A_375 = arith.extui %and3A_374 : i1 to i32
        %cond3A_376 = arith.constant 0 : i32
        %cond3A_377 = arith.cmpi ne, %convert_element_type3A_375, %cond3A_376 : i32
        scf.if %cond3A_377 {
        } else {
        }
        %and3A_378 = arith.constant false
        %and3A_379 = arith.andi %and3A_374, %and3A_378 : i1
        %ne3A_380 = arith.cmpi ne, %add3A_216, %add3A_235 : i32
        %ne3A_381 = arith.cmpi ne, %add3A_218, %add3A_237 : i32
        %or3A_382 = arith.constant false
        %or3A_383 = arith.ori %or3A_382, %ne3A_380 : i1
        %or3A_384 = arith.constant false
        %or3A_385 = arith.ori %or3A_383, %or3A_384 : i1
        %or3A_386 = arith.ori %or3A_385, %ne3A_381 : i1
        %or3A_387 = arith.constant false
        %or3A_388 = arith.ori %or3A_386, %or3A_387 : i1
        %or3A_389 = arith.constant false
        %or3A_390 = arith.ori %or3A_388, %or3A_389 : i1
        %not3A_391 = arith.constant true
        %not3A_392 = arith.xori %eq3A_212, %not3A_391 : i1
        %and3A_393 = arith.andi %or3A_390, %not3A_392 : i1
        %convert_element_type3A_394 = arith.extui %and3A_393 : i1 to i32
        %cond3A_395 = arith.constant 0 : i32
        %cond3A_396 = arith.cmpi ne, %convert_element_type3A_394, %cond3A_395 : i32
        scf.if %cond3A_396 {
          "tpu.trace_start"() <{level = 10 : i32, message = "ep_wait_out"}> : () -> ()
          %rem3A_427 = arith.constant 2 : i32
          %rem3A_428 = arith.remui %scan3A_208, %rem3A_427 : i32
          %mul3A_429 = arith.constant 1 : i32
          %mul3A_430 = arith.muli %mul3A_429, %add3A_235 : i32
          %mul3A_431 = arith.constant 1 : i32
          %mul3A_432 = arith.muli %mul3A_431, %add3A_237 : i32
          %dma_wait3A_433 = arith.constant 0 : i32
          %dma_wait3A_434 = arith.constant 0 : i32
          %dma_wait3A_435 = arith.constant 0 : i32
          %dma_wait3A_436 = arith.constant 0 : i32
          %dma_wait3A_437 = arith.constant 0 : i32
          %dma_wait3A_438 = tpu.memref_slice %run_scoped3A_8[%rem3A_428, %dma_wait3A_433, %dma_wait3A_434, %dma_wait3A_435, %dma_wait3A_436, %dma_wait3A_437] : memref<2x1x8x1x8x128xf32, #tpu.memory_space<vmem>> -> memref<1x1x8x1x8x128xf32, #tpu.memory_space<vmem>>
          %dma_wait3A_439 = tpu.memref_squeeze %dma_wait3A_438 : memref<1x1x8x1x8x128xf32, #tpu.memory_space<vmem>> -> memref<1x8x1x8x128xf32, #tpu.memory_space<vmem>>
          %dma_wait3A_440 = arith.constant 0 : i32
          %dma_wait3A_441 = arith.constant 0 : i32
          %dma_wait3A_442 = arith.constant 0 : i32
          %dma_wait3A_443 = tpu.memref_slice %arg4[%mul3A_430, %dma_wait3A_440, %mul3A_432, %dma_wait3A_441, %dma_wait3A_442] : memref<200x8x32x8x128xf32, #tpu.memory_space<hbm>> -> memref<1x8x1x8x128xf32, #tpu.memory_space<hbm>>
          %dma_wait3A_444 = tpu.memref_slice %run_scoped3A_9[%rem3A_428] : memref<2x!tpu.dma_semaphore, #tpu.memory_space<semaphore_mem>> -> memref<1x!tpu.dma_semaphore, #tpu.memory_space<semaphore_mem>>
          %dma_wait3A_445 = tpu.memref_squeeze %dma_wait3A_444 : memref<1x!tpu.dma_semaphore, #tpu.memory_space<semaphore_mem>> -> memref<!tpu.dma_semaphore, #tpu.memory_space<semaphore_mem>>
          %dma_wait3A_446 = arith.constant 0 : i32
          %dma_wait3A_447 = arith.constant 0 : i32
          %dma_wait3A_448 = arith.constant 0 : i32
          %dma_wait3A_449 = tpu.memref_slice %arg4[%mul3A_430, %dma_wait3A_446, %mul3A_432, %dma_wait3A_447, %dma_wait3A_448] : memref<200x8x32x8x128xf32, #tpu.memory_space<hbm>> -> memref<1x8x1x8x128xf32, #tpu.memory_space<hbm>>
          %dma_wait3A_450 = arith.constant 0 : i32
          %dma_wait3A_451 = arith.constant 0 : i32
          %dma_wait3A_452 = arith.constant 0 : i32
          %dma_wait3A_453 = arith.constant 0 : i32
          %dma_wait3A_454 = arith.constant 0 : i32
          %dma_wait3A_455 = tpu.memref_slice %run_scoped3A_8[%rem3A_428, %dma_wait3A_450, %dma_wait3A_451, %dma_wait3A_452, %dma_wait3A_453, %dma_wait3A_454] : memref<2x1x8x1x8x128xf32, #tpu.memory_space<vmem>> -> memref<1x1x8x1x8x128xf32, #tpu.memory_space<vmem>>
          %dma_wait3A_456 = tpu.memref_squeeze %dma_wait3A_455 : memref<1x1x8x1x8x128xf32, #tpu.memory_space<vmem>> -> memref<1x8x1x8x128xf32, #tpu.memory_space<vmem>>
          tpu.wait_dma2 semaphore(%dma_wait3A_445 : memref<!tpu.dma_semaphore, #tpu.memory_space<semaphore_mem>>) src(%dma_wait3A_456 : memref<1x8x1x8x128xf32, #tpu.memory_space<vmem>>) dst(%dma_wait3A_449 : memref<1x8x1x8x128xf32, #tpu.memory_space<hbm>>)
          "tpu.trace_stop"() : () -> ()
        } else {
        }
        %and3A_397 = arith.constant true
        %and3A_398 = arith.andi %and3A_393, %and3A_397 : i1
        %add3A_399 = arith.constant 1 : i32
        %add3A_400 = arith.addi %scan3A_208, %add3A_399 : i32
        %select_n3A_401 = arith.select %and3A_398, %add3A_400, %scan3A_208 : i32
        %ne3A_402 = arith.cmpi ne, %add3A_216, %add3A_254 : i32
        %ne3A_403 = arith.cmpi ne, %add3A_218, %add3A_256 : i32
        %or3A_404 = arith.constant false
        %or3A_405 = arith.ori %or3A_404, %ne3A_402 : i1
        %or3A_406 = arith.ori %or3A_405, %ne3A_403 : i1
        %or3A_407 = arith.ori %or3A_406, %eq3A_214 : i1
        %add3A_408 = arith.constant 1 : i32
        %add3A_409 = arith.addi %scan3A_206, %add3A_408 : i32
        %select_n3A_410 = arith.select %or3A_407, %add3A_409, %scan3A_206 : i32
        %select_n3A_411 = arith.constant true
        %select_n3A_412 = arith.constant 0 : i32
        %select_n3A_413 = arith.constant 1 : i32
        %select_n3A_414 = arith.select %select_n3A_411, %select_n3A_413, %select_n3A_412 : i32
        %eq3A_415 = arith.constant 1 : i32
        %eq3A_416 = arith.cmpi eq, %select_n3A_414, %eq3A_415 : i32
        %select_n3A_417 = arith.constant 0 : i32
        %select_n3A_418 = arith.select %eq3A_416, %select_n3A_417, %select_n3A_414 : i32
        %add3A_419 = arith.constant 1 : i32
        %add3A_420 = arith.addi %scan3A_209, %add3A_419 : i32
        %select_n3A_421 = arith.select %eq3A_416, %add3A_420, %scan3A_209 : i32
        %eq3A_422 = arith.constant 200 : i32
        %eq3A_423 = arith.cmpi eq, %select_n3A_421, %eq3A_422 : i32
        %select_n3A_424 = arith.constant 0 : i32
        %select_n3A_425 = arith.select %eq3A_423, %select_n3A_424, %select_n3A_421 : i32
        %scan3A_426 = arith.constant 0 : i32
        scf.yield %select_n3A_286, %select_n3A_410, %select_n3A_366, %select_n3A_401, %select_n3A_425, %scan3A_426 : i32, i32, i32, i32, i32, i32
      }
      %scan3A_99 = arith.constant 200 : i32
      %sub3A = arith.constant 1 : i32
      %sub3A_100 = arith.subi %scan3A_98#5, %sub3A : i32
      %select_n3A_101 = arith.constant true
      %select_n3A_102 = arith.select %select_n3A_101, %sub3A_100, %scan3A_98#5 : i32
      %eq3A_103 = arith.constant -1 : i32
      %eq3A_104 = arith.cmpi eq, %select_n3A_102, %eq3A_103 : i32
      %select_n3A_105 = arith.constant 0 : i32
      %select_n3A_106 = arith.select %eq3A_104, %select_n3A_105, %select_n3A_102 : i32
      %sub3A_107 = arith.constant 1 : i32
      %sub3A_108 = arith.subi %scan3A_98#4, %sub3A_107 : i32
      %select_n3A_109 = arith.select %eq3A_104, %sub3A_108, %scan3A_98#4 : i32
      %eq3A_110 = arith.constant -1 : i32
      %eq3A_111 = arith.cmpi eq, %select_n3A_109, %eq3A_110 : i32
      %select_n3A_112 = arith.constant 199 : i32
      %select_n3A_113 = arith.select %eq3A_111, %select_n3A_112, %select_n3A_109 : i32
      %add3A_114 = arith.constant 0 : i32
      %add3A_115 = arith.addi %select_n3A_113, %add3A_114 : i32
      %add3A_116 = arith.constant 0 : i32
      %add3A_117 = arith.addi %add3A_116, %mul3A_6 : i32
      %select_n3A_118 = arith.constant true
      %select_n3A_119 = arith.constant 0 : i32
      %select_n3A_120 = arith.constant -1 : i32
      %select_n3A_121 = arith.select %select_n3A_118, %select_n3A_120, %select_n3A_119 : i32
      %eq3A_122 = arith.constant -1 : i32
      %eq3A_123 = arith.cmpi eq, %select_n3A_121, %eq3A_122 : i32
      %select_n3A_124 = arith.constant 0 : i32
      %select_n3A_125 = arith.select %eq3A_123, %select_n3A_124, %select_n3A_121 : i32
      %sub3A_126 = arith.constant 1 : i32
      %sub3A_127 = arith.subi %select_n3A_113, %sub3A_126 : i32
      %select_n3A_128 = arith.select %eq3A_123, %sub3A_127, %select_n3A_113 : i32
      %eq3A_129 = arith.constant -1 : i32
      %eq3A_130 = arith.cmpi eq, %select_n3A_128, %eq3A_129 : i32
      %select_n3A_131 = arith.constant 199 : i32
      %select_n3A_132 = arith.select %eq3A_130, %select_n3A_131, %select_n3A_128 : i32
      %add3A_133 = arith.constant 0 : i32
      %add3A_134 = arith.addi %select_n3A_132, %add3A_133 : i32
      %add3A_135 = arith.constant 0 : i32
      %add3A_136 = arith.addi %add3A_135, %mul3A_6 : i32
      %select_n3A_137 = arith.constant true
      %select_n3A_138 = arith.constant 0 : i32
      %select_n3A_139 = arith.constant 1 : i32
      %select_n3A_140 = arith.select %select_n3A_137, %select_n3A_139, %select_n3A_138 : i32
      %eq3A_141 = arith.constant 1 : i32
      %eq3A_142 = arith.cmpi eq, %select_n3A_140, %eq3A_141 : i32
      %select_n3A_143 = arith.constant 0 : i32
      %select_n3A_144 = arith.select %eq3A_142, %select_n3A_143, %select_n3A_140 : i32
      %add3A_145 = arith.constant 1 : i32
      %add3A_146 = arith.addi %select_n3A_113, %add3A_145 : i32
      %select_n3A_147 = arith.select %eq3A_142, %add3A_146, %select_n3A_113 : i32
      %eq3A_148 = arith.constant 200 : i32
      %eq3A_149 = arith.cmpi eq, %select_n3A_147, %eq3A_148 : i32
      %select_n3A_150 = arith.constant 0 : i32
      %select_n3A_151 = arith.select %eq3A_149, %select_n3A_150, %select_n3A_147 : i32
      %add3A_152 = arith.constant 0 : i32
      %add3A_153 = arith.addi %select_n3A_151, %add3A_152 : i32
      %add3A_154 = arith.constant 0 : i32
      %add3A_155 = arith.addi %add3A_154, %mul3A_6 : i32
      %select_n3A_156 = arith.constant true
      %select_n3A_157 = arith.constant 0 : i32
      %select_n3A_158 = arith.constant 1 : i32
      %select_n3A_159 = arith.select %select_n3A_156, %select_n3A_158, %select_n3A_157 : i32
      %eq3A_160 = arith.constant 1 : i32
      %eq3A_161 = arith.cmpi eq, %select_n3A_159, %eq3A_160 : i32
      %select_n3A_162 = arith.constant 0 : i32
      %select_n3A_163 = arith.select %eq3A_161, %select_n3A_162, %select_n3A_159 : i32
      %add3A_164 = arith.constant 1 : i32
      %add3A_165 = arith.addi %select_n3A_151, %add3A_164 : i32
      %select_n3A_166 = arith.select %eq3A_161, %add3A_165, %select_n3A_151 : i32
      %eq3A_167 = arith.constant 200 : i32
      %eq3A_168 = arith.cmpi eq, %select_n3A_166, %eq3A_167 : i32
      %select_n3A_169 = arith.constant 0 : i32
      %select_n3A_170 = arith.select %eq3A_168, %select_n3A_169, %select_n3A_166 : i32
      %add3A_171 = arith.constant 0 : i32
      %add3A_172 = arith.addi %select_n3A_170, %add3A_171 : i32
      %add3A_173 = arith.constant 0 : i32
      %add3A_174 = arith.addi %add3A_173, %mul3A_6 : i32
      "tpu.trace_start"() <{level = 10 : i32, message = "ep_finalize"}> : () -> ()
      %rem3A_175 = arith.constant 2 : i32
      %rem3A_176 = arith.remui %scan3A_98#3, %rem3A_175 : i32
      %mul3A_177 = arith.constant 1 : i32
      %mul3A_178 = arith.muli %mul3A_177, %add3A_115 : i32
      %mul3A_179 = arith.constant 1 : i32
      %mul3A_180 = arith.muli %mul3A_179, %add3A_117 : i32
      %dma_wait3A = arith.constant 0 : i32
      %dma_wait3A_181 = arith.constant 0 : i32
      %dma_wait3A_182 = arith.constant 0 : i32
      %dma_wait3A_183 = arith.constant 0 : i32
      %dma_wait3A_184 = arith.constant 0 : i32
      %dma_wait3A_185 = tpu.memref_slice %run_scoped3A_8[%rem3A_176, %dma_wait3A, %dma_wait3A_181, %dma_wait3A_182, %dma_wait3A_183, %dma_wait3A_184] : memref<2x1x8x1x8x128xf32, #tpu.memory_space<vmem>> -> memref<1x1x8x1x8x128xf32, #tpu.memory_space<vmem>>
      %dma_wait3A_186 = tpu.memref_squeeze %dma_wait3A_185 : memref<1x1x8x1x8x128xf32, #tpu.memory_space<vmem>> -> memref<1x8x1x8x128xf32, #tpu.memory_space<vmem>>
      %dma_wait3A_187 = arith.constant 0 : i32
      %dma_wait3A_188 = arith.constant 0 : i32
      %dma_wait3A_189 = arith.constant 0 : i32
      %dma_wait3A_190 = tpu.memref_slice %arg4[%mul3A_178, %dma_wait3A_187, %mul3A_180, %dma_wait3A_188, %dma_wait3A_189] : memref<200x8x32x8x128xf32, #tpu.memory_space<hbm>> -> memref<1x8x1x8x128xf32, #tpu.memory_space<hbm>>
      %dma_wait3A_191 = tpu.memref_slice %run_scoped3A_9[%rem3A_176] : memref<2x!tpu.dma_semaphore, #tpu.memory_space<semaphore_mem>> -> memref<1x!tpu.dma_semaphore, #tpu.memory_space<semaphore_mem>>
      %dma_wait3A_192 = tpu.memref_squeeze %dma_wait3A_191 : memref<1x!tpu.dma_semaphore, #tpu.memory_space<semaphore_mem>> -> memref<!tpu.dma_semaphore, #tpu.memory_space<semaphore_mem>>
      %dma_wait3A_193 = arith.constant 0 : i32
      %dma_wait3A_194 = arith.constant 0 : i32
      %dma_wait3A_195 = arith.constant 0 : i32
      %dma_wait3A_196 = tpu.memref_slice %arg4[%mul3A_178, %dma_wait3A_193, %mul3A_180, %dma_wait3A_194, %dma_wait3A_195] : memref<200x8x32x8x128xf32, #tpu.memory_space<hbm>> -> memref<1x8x1x8x128xf32, #tpu.memory_space<hbm>>
      %dma_wait3A_197 = arith.constant 0 : i32
      %dma_wait3A_198 = arith.constant 0 : i32
      %dma_wait3A_199 = arith.constant 0 : i32
      %dma_wait3A_200 = arith.constant 0 : i32
      %dma_wait3A_201 = arith.constant 0 : i32
      %dma_wait3A_202 = tpu.memref_slice %run_scoped3A_8[%rem3A_176, %dma_wait3A_197, %dma_wait3A_198, %dma_wait3A_199, %dma_wait3A_200, %dma_wait3A_201] : memref<2x1x8x1x8x128xf32, #tpu.memory_space<vmem>> -> memref<1x1x8x1x8x128xf32, #tpu.memory_space<vmem>>
      %dma_wait3A_203 = tpu.memref_squeeze %dma_wait3A_202 : memref<1x1x8x1x8x128xf32, #tpu.memory_space<vmem>> -> memref<1x8x1x8x128xf32, #tpu.memory_space<vmem>>
      tpu.wait_dma2 semaphore(%dma_wait3A_192 : memref<!tpu.dma_semaphore, #tpu.memory_space<semaphore_mem>>) src(%dma_wait3A_203 : memref<1x8x1x8x128xf32, #tpu.memory_space<vmem>>) dst(%dma_wait3A_196 : memref<1x8x1x8x128xf32, #tpu.memory_space<hbm>>)
      "tpu.trace_stop"() : () -> ()
      tpu.yield
    }) : () -> ()
    return
  }
}

</mosaic_0001>

<sc_bundles>
// kernel: kernel.3.cloned.1.call-start
scs
__scs_entry_jumppad:
0x0: {  	(pc) =	sbr.rel $0x88, $3  }
0x1: {  	(tag) =	ssettag $0x0;
	lr =	simm.s32 $0x1  }
0x2: {  	[smem:$0x3F9F] =	sst lr;
	_ =	strace $0xD0000000  }
0x3: {  	_ = 	snop  }
0x4: {  	_ = 	snop  }
0x5: {  	_ = 	snop  }
0x6: {  	_ = 	snop  }
0x7: {  	_ = 	snop  }
__scs_overlays_trampoline_lowered:
0x8: {  	[smem:$0x3FAE] =	sst s0  }
0x9: {  	[smem:$0x3FAF] =	sst s1  }
0xa: {  	[smem:$0x3FB0] =	sst s2  }
0xb: {  	[smem:$0x3FB1] =	sst s3  }
0xc: {  	[smem:$0x3FB2] =	sst s4  }
0xd: {  	[smem:$0x3FB3] =	sst s5  }
0xe: {  	[smem:$0x3FB4] =	sst s6  }
0xf: {  	[smem:$0x3FB5] =	sst s7  }
0x10: {  	[smem:$0x3FB6] =	sst s8  }
0x11: {  	[smem:$0x3FB7] =	sst s9;
	s0 =	simm.s32 @!p0 $0x0  }
0x12: {  	s1 =	sld [smem:$0x3F9D];
	s0 =	simm.s32 @p0 $0x1  }
0x13: {  	[smem:$0x3FB8] =	sst s0;
	s0 =	simm.s32 @!p1 $0x0  }
0x14: {  	s2 =	sld [smem:$0x3F9C];
	s0 =	simm.s32 @p1 $0x1  }
0x15: {  	[smem:$0x3FB9] =	sst s0;
	s0 =	simm.s32 @!p2 $0x0  }
0x16: {  	s3 =	sld [smem:$0x3FDB];
	s0 =	simm.s32 @p2 $0x1  }
0x17: {  	s4 =	simm.s32 $0x1BF5;
	[smem:$0x3FBB] =	sst s0  }
0x18: {  	s0 =	sld [smem:$0x3F9E];
	_ =	swait.ge [sflag:s4], $0x0  }
0x19: {  	s7 =	sld [smem:$0x3F9F]  }
0x1a: {  	s8 =	sadd.s32 $0xFFFFE003, lr  }
0x1b: {  	s9 =	sadd.s32 $0xFFFFFEF7, lr;
	s5 =	simm.s32 $0xFFFFFFFF;
	p2 =	slt.u32 s8, $0xFFFFF086  }
0x1c: {  	p1 =	slt.u32 s9, $0xF7A;
	s5 =	simm.s32 @!p2 $0x0  }
0x1d: {  	s5 =	simm.s32 @p1 $0x1;
	p0 =	seq.s32 s7, s2  }
0x1e: {  	s7 =	smul.u32 @!p0 $0xF7A, s2;
	p2 =	seq.s32 @!p0 s5, $0x0  }
0x1f: {  	s9 =	smul.u32 $0xF7A, s1;
	s8 =	simm.s32 @!p0 $0x1BF5;
	p2 =	por !p2, p0  }
0x20: {  	[sflag:s8] =	ssyncset.s32 @!p0 $0xFFFFF086;
	s6 =	sadd.s32 @!p0 s3, s7;
	s7 =	simm.s32 @!p0 $0x108  }
0x21: {  	s3 =	sadd.s32 s3, s9;
	s6 =	sadd.s32 @!p0 $0x88, s6;
	s7 =	simm.s32 @p2 $0x1082  }
0x22: {  	[simem:s7], [sflag:s8] =	dma.local @!p0 [hbm:s6], $0xF7A  }
0x23: {  	s9 =	sor.u32 $0xD0000000, s2;
	s6 =	simm.s32 $0x108;
	_ =	swait.ge @!p0 [sflag:s8], $0x0  }
0x24: {  	s3 =	sadd.s32 $0x88, s3;
	s6 =	simm.s32 @!p1 $0x1082;
	[sflag:s4] =	ssyncset.s32 $0xFFFFF086  }
0x25: {  	[simem:s6], [sflag:s4] =	dma.local [hbm:s3], $0xF7A  }
0x26: {  	[smem:$0x3F9F] =	sst s1;
	(tag) =	ssettag s2;
	_ =	strace s9  }
0x27: {  	s1 =	sld [smem:$0x3FAF]  }
0x28: {  	s2 =	sld [smem:$0x3FB0]  }
0x29: {  	s4 =	sld [smem:$0x3FB2]  }
0x2a: {  	p0 =	seq.s32 s5, $0x0;
	s5 =	sld [smem:$0x3FB3]  }
0x2b: {  	s6 =	sld [smem:$0x3FB4]  }
0x2c: {  	s7 =	sld [smem:$0x3FB5]  }
0x2d: {  	s3 =	simm.s32 $0x108;
	s8 =	sld [smem:$0x3FB6]  }
0x2e: {  	s3 =	simm.s32 @!p0 $0x1082;
	s9 =	sld [smem:$0x3FB7]  }
0x2f: {  	lr =	sadd.s32 s0, s3;
	s0 =	sld [smem:$0x3FAE]  }
0x30: {  	s3 =	sld [smem:$0x3FB1]  }
0x31: {  	[smem:$0x3FBA] =	sst s10  }
0x32: {  	s10 =	sld [smem:$0x3FB8];
	_ =	sdelay $0x3  }
0x33: {  	p0 =	seq.s32 s10, $0x1;
	s10 =	sld [smem:$0x3FBA];
	_ =	sdelay $0x3  }
0x34: {  	[smem:$0x3FBA] =	sst s10  }
0x35: {  	s10 =	sld [smem:$0x3FB9];
	_ =	sdelay $0x3  }
0x36: {  	p1 =	seq.s32 s10, $0x1;
	s10 =	sld [smem:$0x3FBA];
	_ =	sdelay $0x3  }
0x37: {  	[smem:$0x3FBA] =	sst s10  }
0x38: {  	s10 =	sld [smem:$0x3FBB]  }
0x39: {  	_ = 	snop;
	(pc) =	sbr.ind lr, $3  }
0x3a: {  	_ = 	snop  }
0x3b: {  	_ = 	snop  }
0x3c: {  	p2 =	seq.s32 s10, $0x1;
	s10 =	sld [smem:$0x3FBA]  }
0x3d: {  	_ =	shalt  }
0x3e: {  	_ =	shalt  }
0x3f: {  	_ =	shalt  }
0x40: {  	_ =	shalt  }
0x41: {  	_ =	shalt  }
0x42: {  	_ =	shalt  }
0x43: {  	_ =	shalt  }
0x44: {  	_ =	shalt  }
0x45: {  	_ =	shalt  }
0x46: {  	_ =	shalt  }
0x47: {  	_ =	shalt  }
0x48: {  	_ =	shalt  }
0x49: {  	_ =	shalt  }
0x4a: {  	_ =	shalt  }
0x4b: {  	_ =	shalt  }
0x4c: {  	_ =	shalt  }
0x4d: {  	_ =	shalt  }
0x4e: {  	_ =	shalt  }
0x4f: {  	_ =	shalt  }
0x50: {  	_ =	shalt  }
0x51: {  	_ =	shalt  }
0x52: {  	_ =	shalt  }
0x53: {  	_ =	shalt  }
0x54: {  	_ =	shalt  }
0x55: {  	_ =	shalt  }
0x56: {  	_ =	shalt  }
0x57: {  	_ =	shalt  }
0x58: {  	_ =	shalt  }
0x59: {  	_ =	shalt  }
0x5a: {  	_ =	shalt  }
0x5b: {  	_ =	shalt  }
0x5c: {  	_ =	shalt  }
0x5d: {  	_ =	shalt  }
0x5e: {  	_ =	shalt  }
0x5f: {  	_ =	shalt  }
0x60: {  	_ =	shalt  }
0x61: {  	_ =	shalt  }
0x62: {  	_ =	shalt  }
0x63: {  	_ =	shalt  }
0x64: {  	_ =	shalt  }
0x65: {  	_ =	shalt  }
0x66: {  	_ =	shalt  }
0x67: {  	_ =	shalt  }
0x68: {  	_ =	shalt  }
0x69: {  	_ =	shalt  }
0x6a: {  	_ =	shalt  }
0x6b: {  	_ =	shalt  }
0x6c: {  	_ =	shalt  }
0x6d: {  	_ =	shalt  }
0x6e: {  	_ =	shalt  }
0x6f: {  	_ =	shalt  }
0x70: {  	_ =	shalt  }
0x71: {  	_ =	shalt  }
0x72: {  	_ =	shalt  }
0x73: {  	_ =	shalt  }
0x74: {  	_ =	shalt  }
0x75: {  	_ =	shalt  }
0x76: {  	_ =	shalt  }
0x77: {  	_ =	shalt  }
0x78: {  	_ =	shalt  }
0x79: {  	_ =	shalt  }
0x7a: {  	_ =	shalt  }
0x7b: {  	_ =	shalt  }
0x7c: {  	_ =	shalt  }
0x7d: {  	_ =	shalt  }
0x7e: {  	_ =	shalt  }
0x7f: {  	_ =	shalt  }
0x80: {  	_ =	shalt  }
0x81: {  	_ =	shalt  }
0x82: {  	_ =	shalt  }
0x83: {  	_ =	shalt  }
0x84: {  	_ =	shalt  }
0x85: {  	_ =	shalt  }
0x86: {  	_ =	shalt  }
0x87: {  	_ =	shalt  }
.Lfunc_end0:
.L_simem_size_0:
called_computation_lowered:
.L_overlay_start_0:
0x88: {  	s2 =	sld [smem:$0x3FD9]  }
0x89: {  	s3 =	sld [smem:$0x3FFE];
	_ =	sdelay $0x1  }
0x8a: {  	s1 =	srdreg.scid  }
0x8b: {  	s0 =	sand.u32 $0x1, s1  }
0x8c: {  	s17 =	sshll.u32 s0, $0xA;
	s2 =	sadd.s32 s3, s2  }
0x8d: {  	s2 =	sadd.s32 s2, s17  }
0x8e: {  	[smem:$0x3FC6] =	sst s2  }
0x8f: {  	_ = 	snop  }
0x90: {  	s2 =	sld [smem:$0x3FD0];
	(tm) =	ssettm $0x1  }
0x91: {  	s18 =	sld [smem:$0x3FFB];
	_ =	sdelay $0x3  }
0x92: {  	_ =	strace s18  }
0x93: {  	s3 =	sld [smem:$0x3FFC];
	_ =	sdelay $0x3  }
0x94: {  	_ =	strace s3  }
0x95: {  	s3 =	sld [smem:$0x3FFD];
	_ =	sdelay $0x3  }
0x96: {  	_ =	strace s3  }
0x97: {  	_ =	strace $0x8FFFFFFF  }
0x98: {  	s19 =	sld [smem:$0x3FDB];
	_ =	sdelay $0x1  }
0x99: {  	s4 =	simm.s32 $_scs_section_size  }
0x9a: {  	s5 =	simm.s32 $_size__tile_overlayer_lowered;
	s6 =	simm.s32 $_tile_overlayer_lowered  }
0x9b: {  	s22 =	simm.s32 $0x1BFF;
	s21 =	sshll.u32 s6, $0x1;
	s3 =	sadd.s32 s4, s19  }
0x9c: {  	s7 =	simm.s32 $0x0;
	s20 =	sshll.u32 s5, $0x1;
	s5 =	sadd.s32 s21, s3  }
0x9d: {  	[timem:s7], [sflag:s22] =	dma.local [hbm:s5], s20  }
0x9e: {  	_ =	swait.ge [sflag:s22], s20  }
0x9f: {  	s4 =	ssub.s32 $0x0, s20;
	[sflag:s22] =	ssyncset.done $0x0  }
0xa0: {  	[sflag:s22] =	ssyncadd.s32 s4;
	_ =	sdelay $0x1  }
0xa1: {  	s23 =	simm.s32 $0x1B8B  }
0xa2: {  	_ =	swait.ge [sflag:s23], $0x1  }
0xa3: {  	[sflag:s23] =	ssyncset.done $0x0  }
0xa4: {  	s25 =	simm.s32 $0x1B8E;
	s24 =	sld [smem:$0x3FFE];
	[sflag:s23] =	ssyncadd.s32 $0xFFFFFFFF  }
0xa5: {  	s26 =	simm.s32 $execute0_lowered;
	[smem:$0x3FD2] =	sst s25  }
0xa6: {  	s5 =	sshll.u32 s26, $0x1;
	_ =	strace $0x80000046;
	[dreg:$0x1] =	wrdreg $0xFFFFFFFF  }
0xa7: {  	s28 =	simm.s32 $_size_execute0_lowered;
	s3 =	sadd.s32 s3, s5;
	[dreg:$0x0] =	wrdreg $0x0  }
0xa8: {  	s5 =	sshll.u32 s28, $0x1;
	[dreg:$0x2] =	wrdreg s3  }
0xa9: {  	[dreg:$0x3] =	wrdreg s5  }
0xaa: {  	[dreg:$0x4] =	wrdreg $0xC0  }
0xab: {  	_ =	task [dreg:s7], $0x5FFFF  }
0xac: {  	[dreg:$0x1] =	wrdreg $0xFFFFFFFF  }
0xad: {  	[dreg:$0x0] =	wrdreg $0x60  }
0xae: {  	[dreg:$0x2] =	wrdreg s24  }
0xaf: {  	[dreg:$0x3] =	wrdreg s2  }
0xb0: {  	[dreg:$0x4] =	wrdreg $0x9  }
0xb1: {  	_ =	task.clear_ibuf [dreg:s7], $0x5FFFF;
	_ =	strace $0x90000046  }
0xb2: {  	s29 =	simm.s32 $0x9;
	_ =	strace $0x8000004F  }
0xb3: {  	_ =	swait.ge [sflag:s29], $0x1  }
0xb4: {  	[sflag:s29] =	ssyncadd.s32 $0xFFFFFFFF  }
0xb5: {  	_ =	strace $0x9000004F  }
0xb6: {  	_ =	sfence  }
0xb7: {  	s30 =	sld [smem:$0x0];
	_ =	sdelay $0x2  }
0xb8: {  	s31 =	sshll.u32 s1, $0xD;
	s1 =	sshrl.u32 s1, $0x2  }
0xb9: {  	s3 =	sand.u32 $0x4000, s31;
	s1 =	sadd.s32 s1, s30  }
0xba: {  	s0 =	sor.u32 s3, s0;
	s1 =	sshll.u32 s1, $0x11  }
0xbb: {  	s0 =	sor.u32 s1, s0  }
0xbc: {  	s0 =	sadd.s32 $0x8F2B, s0  }
0xbd: {  	[sflag:s0] =	ssyncadd.remote.s32 $0x1  }
0xbe: {  	_ =	sfence.sel $0xFFFF  }
0xbf: {  	[dreg:$0x0] =	wrdreg $0xFFFFFFFF;
	(pc) =	sbr.abs _section_cstart, $3  }
0xc0: {  	[dreg:$0x1] =	wrdreg $0xFFFFFFFF  }
0xc1: {  	_ =	task.clear_ibuf [dreg:s7], $0x2FFFF;
	_ =	strace $0x9FFFFFFF  }
0xc2: {  	(tm) =	ssettm $0x7FFFFFFF  }
0xc3: {  	_ =	shalt  }
tec
execute0_lowered:
.L_overlay_start_1:
0x0: {  	(tag) =	ssettag $0x1  }
0x1: {  	s5 =	rddreg [dreg:$0x0]  }
0x2: {  	s1 =	rddreg [dreg:$0x1]  }
0x3: {  	s0 =	rddreg [dreg:$0x2]  }
0x4: {  	s2 =	simm.s32 $0x0;
	s3 =	srdreg.scid;
	s11 =	simm.s32 $0x1  }
0x5: {  	s12 =	simm.s32 $0x0;
	[smem:$0x7FF] =	sst s2;
	s6 =	sand.u32 $0x1, s3  }
0x6: {  	s4 =	sadd.s32 $0x400, s5;
	s3 =	stileid.u32;
	s7 =	ssub.s32 $0x2, s6  }
0x7: {  	s5 =	sadd.s32 $0xA00, s5;
	s6 =	sshll.u32 s6, $0x4;
	s8 =	sshrl.u32 s7, $0x1  }
0x8: {  	_ =	strace $0x80000047;
	s9 =	sor.u32 s3, s6;
	s10 =	ssub.s32 s7, s8  }
0x9: {  	s6 =	sshll.u32 s9, $0x7;
	s31 =	sshll.u32 s9, $0x4;
	s8 =	sshll.u32 s9, $0xA  }
0xa: {  	s7 =	sadd.s32 s5, s31;
	s9 =	smax.u32 s10, $0x1;
	s10 =	simm.s32 $0x2A00  }
.LBB2_1:
0xb: {  	[tilespmem:s2], [sflag:$0x1] =	stream.linear.gather [hbm4b:s4+s2], $0x2A00, $0x38;
	[tilespmem:$0x6B00] =	vst v63  }
0xc: {  	_ =	swait.ge [sflag:s11], $0x2A00  }
0xd: {  	[sflag:s11] =	ssyncset.done $0x0  }
0xe: {  	s19 =	simm.s32 $0x0;
	s13 =	simm.s32 $0x0;
	[sflag:s11] =	ssyncadd.s32 $0xFFFFD600  }
0xf: {  	s14 =	simm.s32 $0x0;
	s15 =	simm.s32 $0x0;
	_ =	strace $0x80000048  }
0x10: {  	[tilespmem:s10], [sflag:$0x1] =	stream.linear.gather [hbm4b:s7+s2], $0x80, $0x200038;
	[tilespmem:$0x6B00] =	vst v63  }
0x11: {  	s16 =	simm.s32 $0x1;
	s17 =	simm.s32 $0x0;
	_ =	strace $0x90000048  }
.LBB2_2:
0x12: {  	s18 =	sadd.s32 $0x1, s19  }
0x13: {  	p0 =	seq.s32 s18, $0xC8  }
0x14: {  	s18 =	simm.s32 @p0 $0x0  }
0x15: {  	p6 =	sne.s32 s17, $0xC7;
	p1 =	sne.s32 s19, s18  }
0x16: {  	p0 =	por !p6, !p1  }
0x17: {  	p0 =	por !p0, !p0  }
0x18: {  	s20 =	sshll.u32 @p0 s18, $0xC  }
0x19: {  	s21 =	sand.u32 @p0 $0x1, s16;
	_ =	strace @p0 $0x80000049;
	s20 =	sor.u32 @p0 s6, s20  }
0x1a: {  	s23 =	simm.s32 @p0 $0x0;
	s22 =	sshll.u32 @p0 s21, $0x7;
	s20 =	sshrl.u32 @p0 s20, $0x3  }
0x1b: {  	s21 =	sadd.s32 @p0 $0x1, s21;
	s22 =	sor.u32 @p0 $0x2A00, s22;
	s20 =	sadd.s32 @p0 s5, s20  }
0x1c: {  	[tilespmem:s22], [sflag:s21] =	stream.linear.gather @p0 [hbm4b:s20+s23], $0x80, $0x200038;
	[tilespmem:$0x6B00] =	vst v63  }
0x1d: {  	s25 =	sand.u32 $0x1, s15;
	s28 =	sshll.u32 s15, $0x7;
	_ =	strace @p0 $0x90000049  }
0x1e: {  	s26 =	sadd.s32 $0x1, s25;
	s29 =	sand.u32 $0x80, s28;
	_ =	strace $0x8000004A  }
0x1f: {  	s31 =	sor.u32 $0x2A00, s29;
	_ =	swait.ge [sflag:s26], $0x80  }
0x20: {  	v0 =	vmov s31;
	s20 =	sand.u32 $0x1, s14;
	[sflag:s26] =	ssyncset.done $0x0  }
0x21: {  	s30 =	sshll.u32 s20, $0xD;
	[sflag:s26] =	ssyncadd.s32 $0xFFFFFF80  }
0x22: {  	s24 =	sadd.s32 $0x3B00, s30;
	_ =	strace $0x9000004A  }
0x23: {  	s22 =	simm.s32 $0x0;
	s21 =	sadd.s32 $0x2B00, s30;
	v1 =	vmov s24;
	_ =	strace $0x8000004B  }
.LBB2_3:
0x24: {  	s23 =	sshra.s32 s22, $0x2  }
0x25: {  	v2 =	vld.idx.msk [tilespmem:v0+s23+$0x0 ss:$0x1], $0xffff;
	_ =	sdelay $0x4  }
0x26: {  	v3 =	vadd.s32 $0xA8, v2  }
0x27: {  	v4 =	vadd.s32 $0x150, v2  }
0x28: {  	v5 =	vadd.s32 $0x1F8, v2  }
0x29: {  	v6 =	vadd.s32 $0x2A0, v2  }
0x2a: {  	v8 =	vadd.s32 $0x348, v2;
	v7 =	vld.idx.msk [tilespmem:v2+s2+$0x0], $0xffff  }
0x2b: {  	v9 =	vadd.s32 $0x3F0, v2;
	v3 =	vld.idx.msk [tilespmem:v3+s2+$0x0], $0xffff  }
0x2c: {  	v10 =	vadd.s32 $0x498, v2;
	v4 =	vld.idx.msk [tilespmem:v4+s2+$0x0], $0xffff  }
0x2d: {  	v11 =	vadd.s32 $0x540, v2;
	v5 =	vld.idx.msk [tilespmem:v5+s2+$0x0], $0xffff  }
0x2e: {  	v12 =	vadd.s32 $0x5E8, v2;
	v6 =	vld.idx.msk [tilespmem:v6+s2+$0x0], $0xffff  }
0x2f: {  	v13 =	vadd.s32 $0x690, v2;
	v8 =	vld.idx.msk [tilespmem:v8+s2+$0x0], $0xffff  }
0x30: {  	v14 =	vadd.s32 $0x738, v2;
	v9 =	vld.idx.msk [tilespmem:v9+s2+$0x0], $0xffff  }
0x31: {  	v15 =	vadd.s32 $0x7E0, v2;
	v10 =	vld.idx.msk [tilespmem:v10+s2+$0x0], $0xffff  }
0x32: {  	v16 =	vadd.s32 $0x888, v2;
	v11 =	vld.idx.msk [tilespmem:v11+s2+$0x0], $0xffff  }
0x33: {  	v17 =	vadd.s32 $0x930, v2;
	v12 =	vld.idx.msk [tilespmem:v12+s2+$0x0], $0xffff  }
0x34: {  	v18 =	vadd.s32 $0x9D8, v2;
	v13 =	vld.idx.msk [tilespmem:v13+s2+$0x0], $0xffff  }
0x35: {  	v19 =	vadd.s32 $0xA80, v2;
	v14 =	vld.idx.msk [tilespmem:v14+s2+$0x0], $0xffff  }
0x36: {  	v20 =	vadd.s32 $0xB28, v2;
	v15 =	vld.idx.msk [tilespmem:v15+s2+$0x0], $0xffff  }
0x37: {  	v21 =	vadd.s32 $0xBD0, v2;
	v16 =	vld.idx.msk [tilespmem:v16+s2+$0x0], $0xffff  }
0x38: {  	v22 =	vadd.s32 $0xC78, v2;
	v17 =	vld.idx.msk [tilespmem:v17+s2+$0x0], $0xffff  }
0x39: {  	v23 =	vadd.s32 $0xD20, v2;
	v18 =	vld.idx.msk [tilespmem:v18+s2+$0x0], $0xffff  }
0x3a: {  	v24 =	vadd.s32 $0xDC8, v2;
	v19 =	vld.idx.msk [tilespmem:v19+s2+$0x0], $0xffff  }
0x3b: {  	v25 =	vadd.s32 $0xE70, v2;
	v20 =	vld.idx.msk [tilespmem:v20+s2+$0x0], $0xffff  }
0x3c: {  	v26 =	vadd.s32 $0xF18, v2;
	v21 =	vld.idx.msk [tilespmem:v21+s2+$0x0], $0xffff  }
0x3d: {  	v27 =	vadd.s32 $0xFC0, v2;
	v22 =	vld.idx.msk [tilespmem:v22+s2+$0x0], $0xffff  }
0x3e: {  	v28 =	vadd.s32 $0x1068, v2;
	v23 =	vld.idx.msk [tilespmem:v23+s2+$0x0], $0xffff  }
0x3f: {  	v29 =	vadd.s32 $0x1110, v2;
	v24 =	vld.idx.msk [tilespmem:v24+s2+$0x0], $0xffff  }
0x40: {  	v30 =	vadd.s32 $0x11B8, v2;
	v25 =	vld.idx.msk [tilespmem:v25+s2+$0x0], $0xffff  }
0x41: {  	v31 =	vadd.s32 $0x1260, v2;
	v26 =	vld.idx.msk [tilespmem:v26+s2+$0x0], $0xffff  }
0x42: {  	v32 =	vadd.s32 $0x1308, v2;
	v27 =	vld.idx.msk [tilespmem:v27+s2+$0x0], $0xffff  }
0x43: {  	v33 =	vadd.s32 $0x13B0, v2;
	v28 =	vld.idx.msk [tilespmem:v28+s2+$0x0], $0xffff  }
0x44: {  	v34 =	vadd.s32 $0x1458, v2;
	v29 =	vld.idx.msk [tilespmem:v29+s2+$0x0], $0xffff  }
0x45: {  	v30 =	vld.idx.msk [tilespmem:v30+s2+$0x0], $0xffff  }
0x46: {  	v31 =	vld.idx.msk [tilespmem:v31+s2+$0x0], $0xffff  }
0x47: {  	v32 =	vld.idx.msk [tilespmem:v32+s2+$0x0], $0xffff  }
0x48: {  	v33 =	vld.idx.msk [tilespmem:v33+s2+$0x0], $0xffff  }
0x49: {  	v34 =	vld.idx.msk [tilespmem:v34+s2+$0x0], $0xffff;
	[tilespmem:v1+s23+$0xFFFFF000 ss:$0x1] =	vst.idx.msk $0xffff, v7  }
0x4a: {  	[tilespmem:v1+s23+$0xFFFFF080 ss:$0x1] =	vst.idx.msk $0xffff, v3  }
0x4b: {  	[tilespmem:v1+s23+$0xFFFFF100 ss:$0x1] =	vst.idx.msk $0xffff, v4  }
0x4c: {  	[tilespmem:v1+s23+$0xFFFFF180 ss:$0x1] =	vst.idx.msk $0xffff, v5  }
0x4d: {  	[tilespmem:v1+s23+$0xFFFFF200 ss:$0x1] =	vst.idx.msk $0xffff, v6  }
0x4e: {  	[tilespmem:v1+s23+$0xFFFFF280 ss:$0x1] =	vst.idx.msk $0xffff, v8  }
0x4f: {  	[tilespmem:v1+s23+$0xFFFFF300 ss:$0x1] =	vst.idx.msk $0xffff, v9  }
0x50: {  	[tilespmem:v1+s23+$0xFFFFF380 ss:$0x1] =	vst.idx.msk $0xffff, v10  }
0x51: {  	[tilespmem:v1+s23+$0xFFFFF400 ss:$0x1] =	vst.idx.msk $0xffff, v11  }
0x52: {  	[tilespmem:v1+s23+$0xFFFFF480 ss:$0x1] =	vst.idx.msk $0xffff, v12  }
0x53: {  	[tilespmem:v1+s23+$0xFFFFF500 ss:$0x1] =	vst.idx.msk $0xffff, v13  }
0x54: {  	v3 =	vadd.s32 $0x1500, v2;
	[tilespmem:v1+s23+$0xFFFFF580 ss:$0x1] =	vst.idx.msk $0xffff, v14  }
0x55: {  	v35 =	vadd.s32 $0x1650, v2;
	[tilespmem:v1+s23+$0xFFFFF600 ss:$0x1] =	vst.idx.msk $0xffff, v15  }
0x56: {  	v36 =	vadd.s32 $0x16F8, v2;
	[tilespmem:v1+s23+$0xFFFFF680 ss:$0x1] =	vst.idx.msk $0xffff, v16  }
0x57: {  	v37 =	vadd.s32 $0x17A0, v2;
	[tilespmem:v1+s23+$0xFFFFF700 ss:$0x1] =	vst.idx.msk $0xffff, v17  }
0x58: {  	v38 =	vadd.s32 $0x1848, v2;
	[tilespmem:v1+s23+$0xFFFFF780 ss:$0x1] =	vst.idx.msk $0xffff, v18  }
0x59: {  	v39 =	vadd.s32 $0x18F0, v2;
	v3 =	vld.idx.msk [tilespmem:v3+s2+$0x0], $0xffff  }
0x5a: {  	v40 =	vadd.s32 $0x1998, v2;
	v5 =	vld.idx.msk [tilespmem:v35+s2+$0x0], $0xffff  }
0x5b: {  	v41 =	vadd.s32 $0x1A40, v2;
	v6 =	vld.idx.msk [tilespmem:v36+s2+$0x0], $0xffff  }
0x5c: {  	v42 =	vadd.s32 $0x1AE8, v2;
	v7 =	vld.idx.msk [tilespmem:v37+s2+$0x0], $0xffff  }
0x5d: {  	v43 =	vadd.s32 $0x1B90, v2;
	v8 =	vld.idx.msk [tilespmem:v38+s2+$0x0], $0xffff  }
0x5e: {  	v44 =	vadd.s32 $0x1C38, v2;
	v9 =	vld.idx.msk [tilespmem:v39+s2+$0x0], $0xffff  }
0x5f: {  	v46 =	vadd.s32 $0x1D88, v2;
	v10 =	vld.idx.msk [tilespmem:v40+s2+$0x0], $0xffff  }
0x60: {  	v47 =	vadd.s32 $0x1E30, v2;
	v11 =	vld.idx.msk [tilespmem:v41+s2+$0x0], $0xffff  }
0x61: {  	v48 =	vadd.s32 $0x1ED8, v2;
	v12 =	vld.idx.msk [tilespmem:v42+s2+$0x0], $0xffff  }
0x62: {  	v15 =	vadd.s32 $0x15A8, v2;
	v13 =	vld.idx.msk [tilespmem:v43+s2+$0x0], $0xffff  }
0x63: {  	v45 =	vadd.s32 $0x1CE0, v2;
	v14 =	vld.idx.msk [tilespmem:v44+s2+$0x0], $0xffff  }
0x64: {  	v16 =	vld.idx.msk [tilespmem:v46+s2+$0x0], $0xffff  }
0x65: {  	v17 =	vld.idx.msk [tilespmem:v47+s2+$0x0], $0xffff  }
0x66: {  	v18 =	vld.idx.msk [tilespmem:v48+s2+$0x0], $0xffff  }
0x67: {  	v4 =	vld.idx.msk [tilespmem:v15+s2+$0x0], $0xffff  }
0x68: {  	v15 =	vld.idx.msk [tilespmem:v45+s2+$0x0], $0xffff;
	[tilespmem:v1+s23+$0xFFFFF800 ss:$0x1] =	vst.idx.msk $0xffff, v19  }
0x69: {  	[tilespmem:v1+s23+$0xFFFFF880 ss:$0x1] =	vst.idx.msk $0xffff, v20  }
0x6a: {  	[tilespmem:v1+s23+$0xFFFFF900 ss:$0x1] =	vst.idx.msk $0xffff, v21  }
0x6b: {  	[tilespmem:v1+s23+$0xFFFFF980 ss:$0x1] =	vst.idx.msk $0xffff, v22  }
0x6c: {  	[tilespmem:v1+s23+$0xFFFFFA00 ss:$0x1] =	vst.idx.msk $0xffff, v23  }
0x6d: {  	[tilespmem:v1+s23+$0xFFFFFA80 ss:$0x1] =	vst.idx.msk $0xffff, v24  }
0x6e: {  	[tilespmem:v1+s23+$0xFFFFFB00 ss:$0x1] =	vst.idx.msk $0xffff, v25  }
0x6f: {  	[tilespmem:v1+s23+$0xFFFFFB80 ss:$0x1] =	vst.idx.msk $0xffff, v26  }
0x70: {  	[tilespmem:v1+s23+$0xFFFFFC00 ss:$0x1] =	vst.idx.msk $0xffff, v27  }
0x71: {  	[tilespmem:v1+s23+$0xFFFFFC80 ss:$0x1] =	vst.idx.msk $0xffff, v28  }
0x72: {  	[tilespmem:v1+s23+$0xFFFFFD00 ss:$0x1] =	vst.idx.msk $0xffff, v29  }
0x73: {  	v49 =	vadd.s32 $0x1F80, v2;
	[tilespmem:v1+s23+$0xFFFFFD80 ss:$0x1] =	vst.idx.msk $0xffff, v30  }
0x74: {  	v50 =	vadd.s32 $0x2028, v2;
	[tilespmem:v1+s23+$0xFFFFFE00 ss:$0x1] =	vst.idx.msk $0xffff, v31  }
0x75: {  	v51 =	vadd.s32 $0x20D0, v2;
	[tilespmem:v1+s23+$0xFFFFFE80 ss:$0x1] =	vst.idx.msk $0xffff, v32  }
0x76: {  	v52 =	vadd.s32 $0x2178, v2;
	[tilespmem:v1+s23+$0xFFFFFF00 ss:$0x1] =	vst.idx.msk $0xffff, v33  }
0x77: {  	v53 =	vadd.s32 $0x2220, v2;
	[tilespmem:v1+s23+$0xFFFFFF80 ss:$0x1] =	vst.idx.msk $0xffff, v34  }
0x78: {  	v54 =	vadd.s32 $0x22C8, v2;
	v19 =	vld.idx.msk [tilespmem:v49+s2+$0x0], $0xffff  }
0x79: {  	v55 =	vadd.s32 $0x2370, v2;
	v20 =	vld.idx.msk [tilespmem:v50+s2+$0x0], $0xffff  }
0x7a: {  	v56 =	vadd.s32 $0x2418, v2;
	v21 =	vld.idx.msk [tilespmem:v51+s2+$0x0], $0xffff  }
0x7b: {  	v57 =	vadd.s32 $0x24C0, v2;
	v22 =	vld.idx.msk [tilespmem:v52+s2+$0x0], $0xffff  }
0x7c: {  	v58 =	vadd.s32 $0x2568, v2;
	v23 =	vld.idx.msk [tilespmem:v53+s2+$0x0], $0xffff  }
0x7d: {  	v59 =	vadd.s32 $0x2610, v2;
	v24 =	vld.idx.msk [tilespmem:v54+s2+$0x0], $0xffff  }
0x7e: {  	v60 =	vadd.s32 $0x26B8, v2;
	v25 =	vld.idx.msk [tilespmem:v55+s2+$0x0], $0xffff  }
0x7f: {  	v61 =	vadd.s32 $0x2760, v2;
	v26 =	vld.idx.msk [tilespmem:v56+s2+$0x0], $0xffff  }
0x80: {  	v62 =	vadd.s32 $0x2808, v2;
	v27 =	vld.idx.msk [tilespmem:v57+s2+$0x0], $0xffff  }
0x81: {  	v63 =	vadd.s32 $0x28B0, v2;
	v28 =	vld.idx.msk [tilespmem:v58+s2+$0x0], $0xffff  }
0x82: {  	v2 =	vadd.s32 $0x2958, v2;
	v29 =	vld.idx.msk [tilespmem:v59+s2+$0x0], $0xffff  }
0x83: {  	v30 =	vld.idx.msk [tilespmem:v60+s2+$0x0], $0xffff  }
0x84: {  	v31 =	vld.idx.msk [tilespmem:v61+s2+$0x0], $0xffff  }
0x85: {  	v32 =	vld.idx.msk [tilespmem:v62+s2+$0x0], $0xffff  }
0x86: {  	v33 =	vld.idx.msk [tilespmem:v63+s2+$0x0], $0xffff  }
0x87: {  	v2 =	vld.idx.msk [tilespmem:v2+s2+$0x0], $0xffff;
	[tilespmem:v1+s23+$0x0 ss:$0x1] =	vst.idx.msk $0xffff, v3  }
0x88: {  	[tilespmem:v1+s23+$0x80 ss:$0x1] =	vst.idx.msk $0xffff, v4  }
0x89: {  	[tilespmem:v1+s23+$0x100 ss:$0x1] =	vst.idx.msk $0xffff, v5  }
0x8a: {  	[tilespmem:v1+s23+$0x180 ss:$0x1] =	vst.idx.msk $0xffff, v6  }
0x8b: {  	[tilespmem:v1+s23+$0x200 ss:$0x1] =	vst.idx.msk $0xffff, v7  }
0x8c: {  	[tilespmem:v1+s23+$0x280 ss:$0x1] =	vst.idx.msk $0xffff, v8  }
0x8d: {  	[tilespmem:v1+s23+$0x300 ss:$0x1] =	vst.idx.msk $0xffff, v9  }
0x8e: {  	[tilespmem:v1+s23+$0x380 ss:$0x1] =	vst.idx.msk $0xffff, v10  }
0x8f: {  	[tilespmem:v1+s23+$0x400 ss:$0x1] =	vst.idx.msk $0xffff, v11  }
0x90: {  	[tilespmem:v1+s23+$0x480 ss:$0x1] =	vst.idx.msk $0xffff, v12  }
0x91: {  	[tilespmem:v1+s23+$0x500 ss:$0x1] =	vst.idx.msk $0xffff, v13  }
0x92: {  	[tilespmem:v1+s23+$0x580 ss:$0x1] =	vst.idx.msk $0xffff, v14  }
0x93: {  	[tilespmem:v1+s23+$0x600 ss:$0x1] =	vst.idx.msk $0xffff, v15  }
0x94: {  	[tilespmem:v1+s23+$0x680 ss:$0x1] =	vst.idx.msk $0xffff, v16  }
0x95: {  	[tilespmem:v1+s23+$0x700 ss:$0x1] =	vst.idx.msk $0xffff, v17  }
0x96: {  	[tilespmem:v1+s23+$0x780 ss:$0x1] =	vst.idx.msk $0xffff, v18  }
0x97: {  	[tilespmem:v1+s23+$0x800 ss:$0x1] =	vst.idx.msk $0xffff, v19  }
0x98: {  	[tilespmem:v1+s23+$0x880 ss:$0x1] =	vst.idx.msk $0xffff, v20  }
0x99: {  	[tilespmem:v1+s23+$0x900 ss:$0x1] =	vst.idx.msk $0xffff, v21  }
0x9a: {  	[tilespmem:v1+s23+$0x980 ss:$0x1] =	vst.idx.msk $0xffff, v22  }
0x9b: {  	[tilespmem:v1+s23+$0xA00 ss:$0x1] =	vst.idx.msk $0xffff, v23  }
0x9c: {  	[tilespmem:v1+s23+$0xA80 ss:$0x1] =	vst.idx.msk $0xffff, v24  }
0x9d: {  	[tilespmem:v1+s23+$0xB00 ss:$0x1] =	vst.idx.msk $0xffff, v25  }
0x9e: {  	[tilespmem:v1+s23+$0xB80 ss:$0x1] =	vst.idx.msk $0xffff, v26  }
0x9f: {  	[tilespmem:v1+s23+$0xC00 ss:$0x1] =	vst.idx.msk $0xffff, v27  }
0xa0: {  	[tilespmem:v1+s23+$0xC80 ss:$0x1] =	vst.idx.msk $0xffff, v28  }
0xa1: {  	p2 =	sne.s32 s22, $0x1C0;
	[tilespmem:v1+s23+$0xD00 ss:$0x1] =	vst.idx.msk $0xffff, v29  }
.Ltmp0:
0xa2: {  	[tilespmem:v1+s23+$0xD80 ss:$0x1] =	vst.idx.msk $0xffff, v30;
	(pc) =	sbr.rel @p2 .LBB2_3-.Ltmp0, $4  }
0xa3: {  	[tilespmem:v1+s23+$0xE00 ss:$0x1] =	vst.idx.msk $0xffff, v31  }
0xa4: {  	[tilespmem:v1+s23+$0xE80 ss:$0x1] =	vst.idx.msk $0xffff, v32  }
0xa5: {  	[tilespmem:v1+s23+$0xF00 ss:$0x1] =	vst.idx.msk $0xffff, v33  }
0xa6: {  	s22 =	sadd.s32 $0x40, s22;
	[tilespmem:v1+s23+$0xF80 ss:$0x1] =	vst.idx.msk $0xffff, v2  }
0xa7: {  	p2 =	seq.s32 s17, $0xC7  }
0xa8: {  	p1 =	por p2, p1  }
0xa9: {  	s19 =	sshll.u32 @p1 s19, $0x12  }
0xaa: {  	_ =	strace $0x9000004B;
	s19 =	sor.u32 @p1 s8, s19  }
0xab: {  	_ =	strace @p1 $0x8000004C;
	s20 =	sadd.s32 @p1 $0x3, s20;
	s19 =	sshrl.u32 @p1 s19, $0x3  }
0xac: {  	s22 =	simm.s32 @p1 $0x400;
	s23 =	simm.s32 @p1 $0x8000;
	s19 =	sadd.s32 @p1 s1, s19  }
0xad: {  	[hbm4b:s19+s22] =	stream.strided.scatter @p1 [tilespmem:s21], [sflag:s20], $0x2000, s23, s22, $0x200038;
	[tilespmem:$0x6B00] =	vst v63  }
0xae: {  	s19 =	simm.s32 $0x1  }
0xaf: {  	s21 =	simm.s32 $0x1;
	s19 =	simm.s32 @!p0 $0x0;
	p0 =	seq.s32 s17, $0x0  }
0xb0: {  	_ =	strace @p1 $0x9000004C;
	s16 =	sadd.s32 s19, s16;
	s19 =	simm.s32 $0x1  }
0xb1: {  	s19 =	simm.s32 @!p1 $0x0;
	p1 =	sne.s32 s17, $0x0;
	s17 =	sadd.s32 $0x1, s17  }
0xb2: {  	s20 =	sand.u32 @!p0 $0x1, s13;
	s21 =	simm.s32 @!p1 $0x0;
	p1 =	sne.s32 s17, $0xC8  }
.Ltmp1:
0xb3: {  	_ =	strace @!p0 $0x8000004D;
	s20 =	sadd.s32 @!p0 $0x3, s20;
	(pc) =	sbr.rel @p1 .LBB2_2-.Ltmp1, $4  }
0xb4: {  	_ =	swait.ge @!p0 [sflag:s20], $0x2000  }
0xb5: {  	[sflag:s20] =	ssyncset.done @!p0 $0x0  }
0xb6: {  	s14 =	sadd.s32 s19, s14;
	s15 =	sadd.s32 s19, s15;
	[sflag:s20] =	ssyncadd.s32 @!p0 $0xFFFFE000  }
0xb7: {  	s19 =	smov.u32 s18;
	s13 =	sadd.s32 s21, s13;
	_ =	strace @!p0 $0x9000004D  }
0xb8: {  	s12 =	sadd.s32 $0x1, s12  }
0xb9: {  	s13 =	sand.u32 $0x1, s13;
	p0 =	sne.s32 s12, s9  }
.Ltmp2:
0xba: {  	_ =	strace $0x8000004E;
	s13 =	sadd.s32 $0x3, s13;
	(pc) =	sbr.rel @p0 .LBB2_1-.Ltmp2, $4  }
0xbb: {  	_ =	swait.ge [sflag:s13], $0x2000  }
0xbc: {  	[sflag:s13] =	ssyncset.done $0x0  }
0xbd: {  	[sflag:s13] =	ssyncadd.s32 $0xFFFFE000  }
0xbe: {  	_ =	strace $0x9000004E  }
0xbf: {  	_ =	sfence.sel $0x180000  }
0xc0: {  	[bflag:$0x0] =	sbarrier.arrive $0xFFFF  }
0xc1: {  	p0 =	sne.s32 s3, $0x0;
	_ =	strace $0x90000047  }
0xc2: {  	s0 =	sadd.s32 @!p0 $0x100000, s0;
	[bflag:$0x2] =	sbarrier.arrive $0xFFFF  }
0xc3: {  	[sflag:s0] =	ssyncadd.tile.s32 @!p0 $0x1;
	_ =	shalt  }
.Lfunc_end2:
_tile_overlayer_lowered:
.L_overlay_start_2:
0xc4: {  	(tag) =	ssettag $0x2  }
0xc5: {  	s0 =	rddreg [dreg:$0x0];
	s2 =	stileid.u32  }
0xc6: {  	s1 =	rddreg [dreg:$0x1];
	p0 =	sne.s32 s2, $0x0  }
0xc7: {  	s3 =	rddreg [dreg:$0x2];
	[bflag:$0x3] =	sbarrier.arrive $0xFFFF;
	s2 =	simm.s32 @!p0 $0x1C01  }
0xc8: {  	[timem:s3], [sflag:s2] =	dma.local @!p0 [hbm:s0], s1  }
0xc9: {  	s0 =	simm.s32 @!p0 $0x1  }
0xca: {  	_ =	swait.ge @!p0 [sflag:s0], s1  }
0xcb: {  	s1 =	ssub.s32 @!p0 $0x0, s1;
	[sflag:s0] =	ssyncset.done @!p0 $0x0  }
0xcc: {  	[sflag:s0] =	ssyncadd.s32 @!p0 s1  }
0xcd: {  	[bflag:$0x3] =	sbarrier.arrive $0xFFFF  }
0xce: {  	_ =	shalt  }

</sc_bundles>
